<compile_context>
chip_gen: v7x
topology: tpu7x:2x2x1
jax: 0.10.2.dev20260603
libtpu: 0.0.44.dev20260713+nightly
codegen_flags: <defaults>
</compile_context>

<pallas_src>
import functools

import jax
import jax.numpy as jnp
from jax import lax
from jax.experimental import pallas as pl
from jax.experimental.pallas import tpu as pltpu
from jax.experimental.pallas import tpu_sc as plsc

K_NN = 16
W = 128
TQ_A = 1024
TN = 2048
TQ_B = 512
TQ_D = 512
BIG = 1e30
BIG2 = 2e30
BIGI = 1e9

NC_SC = 2
NS_SC = 16
NW_SC = NC_SC * NS_SC


def _dist_body(n_real, q_ref, k_ref, d2_ref, gm_ref):
    q = q_ref[...]
    kk = k_ref[...]
    q2 = jnp.sum(q * q, axis=1, keepdims=True)
    k2 = jnp.sum(kk * kk, axis=1, keepdims=True)
    dot = lax.dot_general(q, kk, (((1,), (1,)), ((), ())),
                          preferred_element_type=jnp.float32)
    d2 = q2 + k2[None, :, 0] - 2.0 * dot
    ni = pl.program_id(1)
    gcols = []
    for t in range(TN // 256):
        dt = d2[:, t * 256:(t + 1) * 256]
        col = ni * TN + t * 256 + lax.broadcasted_iota(
            jnp.int32, (TQ_A, 256), 1)
        dt = jnp.where(col < n_real, dt, BIG)
        d2_ref[0, 2 * t] = dt[:, :W]
        d2_ref[0, 2 * t + 1] = dt[:, W:]
        gcols.append(jnp.min(dt[:, :W], axis=1, keepdims=True))
        gcols.append(jnp.min(dt[:, W:], axis=1, keepdims=True))
    gm_ref[0, :, :] = jnp.concatenate(gcols, axis=1)


def _group_topk_body(n_groups, q_n, gm_ref, gids_ref, fidx_ref):
    vals = gm_ref[...]
    gio = lax.broadcasted_iota(jnp.int32, vals.shape, 1).astype(jnp.float32)
    cols = []
    for _ in range(K_NN):
        m = jnp.min(vals, axis=1, keepdims=True)
        sel = jnp.min(jnp.where(vals <= m, gio, BIGI), axis=1, keepdims=True)
        cols.append(sel)
        vals = jnp.where(gio == sel, BIG2, vals)
    gids = jnp.concatenate(cols, axis=1).astype(jnp.int32)
    row = pl.program_id(0) * TQ_B + lax.broadcasted_iota(
        jnp.int32, (TQ_B, K_NN), 0)
    gids_ref[...] = gids
    fidx_ref[...] = gids * q_n + row


def _final_body(cand_ref, gids_ref, dist_ref, idx_ref):
    vals = cand_ref[...]
    gids = gids_ref[...]
    lane = lax.broadcasted_iota(jnp.int32, (TQ_D, W), 1)
    gidx = jnp.concatenate(
        [(gids[:, s:s + 1] * W + lane).astype(jnp.float32)
         for s in range(K_NN)], axis=1)
    dcols, icols = [], []
    for _ in range(K_NN):
        m = jnp.min(vals, axis=1, keepdims=True)
        cidx = jnp.min(jnp.where(vals <= m, gidx, BIGI), axis=1, keepdims=True)
        dcols.append(m)
        icols.append(cidx)
        vals = jnp.where(gidx == cidx, BIG2, vals)
    dist_ref[...] = jnp.concatenate(dcols, axis=1)
    idx_ref[...] = jnp.concatenate(icols, axis=1).astype(jnp.int32)


def _sc_gather(table, idx_flat):
    b_rows = idx_flat.shape[0]
    b_per_w = b_rows // NW_SC
    chunk = 128
    n_ch = b_per_w // chunk
    mesh = plsc.VectorSubcoreMesh(core_axis_name="c", subcore_axis_name="s")

    @functools.partial(
        pl.kernel,
        out_type=jax.ShapeDtypeStruct((b_rows, W), jnp.float32),
        mesh=mesh,
        scratch_types=[
            pltpu.VMEM((chunk,), jnp.int32),
            pltpu.VMEM((chunk, W), jnp.float32),
            pltpu.SemaphoreType.DMA,
        ],
    )
    def gather_kernel(table_hbm, idx_hbm, out_hbm, idx_v, rows_v, sem):
        wid = lax.axis_index("s") * NC_SC + lax.axis_index("c")
        base = wid * b_per_w

        def body(i, carry):
            off = base + i * chunk
            pltpu.sync_copy(idx_hbm.at[pl.ds(off, chunk)], idx_v)
            pltpu.async_copy(table_hbm.at[idx_v], rows_v, sem).wait()
            pltpu.sync_copy(rows_v, out_hbm.at[pl.ds(off, chunk)])
            return carry

        lax.fori_loop(0, n_ch, body, 0)

    return gather_kernel(table, idx_flat)


def kernel(queries, keys, k):
    q_n, d = queries.shape
    n_real = keys.shape[0]
    n_pad = ((n_real + TN - 1) // TN) * TN
    n_groups = n_pad // W
    n_tiles_n = n_pad // TN
    n_tiles_qa = q_n // TQ_A

    keys_p = jnp.pad(keys, ((0, n_pad - n_real), (0, 0)))

    d2t, gm3 = pl.pallas_call(
        functools.partial(_dist_body, n_real),
        grid=(n_tiles_qa, n_tiles_n),
        in_specs=[
            pl.BlockSpec((TQ_A, d), lambda qi, ni: (qi, 0)),
            pl.BlockSpec((TN, d), lambda qi, ni: (ni, 0)),
        ],
        out_specs=[
            pl.BlockSpec((1, TN // W, TQ_A, W), lambda qi, ni: (ni, 0, qi, 0)),
            pl.BlockSpec((1, TQ_A, TN // W), lambda qi, ni: (ni, qi, 0)),
        ],
        out_shape=[
            jax.ShapeDtypeStruct((n_tiles_n, TN // W, q_n, W), jnp.float32),
            jax.ShapeDtypeStruct((n_tiles_n, q_n, TN // W), jnp.float32),
        ],
        compiler_params=pltpu.CompilerParams(
            dimension_semantics=("parallel", "arbitrary")),
    )(queries, keys_p)

    gmins = gm3.transpose(1, 0, 2).reshape(q_n, n_groups)

    gids, fidx = pl.pallas_call(
        functools.partial(_group_topk_body, n_groups, q_n),
        grid=(q_n // TQ_B,),
        in_specs=[pl.BlockSpec((TQ_B, n_groups), lambda i: (i, 0))],
        out_specs=[
            pl.BlockSpec((TQ_B, K_NN), lambda i: (i, 0)),
            pl.BlockSpec((TQ_B, K_NN), lambda i: (i, 0)),
        ],
        out_shape=[
            jax.ShapeDtypeStruct((q_n, K_NN), jnp.int32),
            jax.ShapeDtypeStruct((q_n, K_NN), jnp.int32),
        ],
    )(gmins)

    table = d2t.reshape(q_n * n_groups, W)
    cand = _sc_gather(table, fidx.reshape(q_n * K_NN))
    cand2 = cand.reshape(q_n, K_NN * W)

    dists, idx = pl.pallas_call(
        _final_body,
        grid=(q_n // TQ_D,),
        in_specs=[
            pl.BlockSpec((TQ_D, K_NN * W), lambda i: (i, 0)),
            pl.BlockSpec((TQ_D, K_NN), lambda i: (i, 0)),
        ],
        out_specs=[
            pl.BlockSpec((TQ_D, K_NN), lambda i: (i, 0)),
            pl.BlockSpec((TQ_D, K_NN), lambda i: (i, 0)),
        ],
        out_shape=[
            jax.ShapeDtypeStruct((q_n, K_NN), jnp.float32),
            jax.ShapeDtypeStruct((q_n, K_NN), jnp.int32),
        ],
    )(cand2, gids)

    return dists, idx

# --- scband reference (transcript-rebuilt; emitter-appended) ---
"""Pipeline reference for scband-strivec-base-hier-8813272891677 (READ-ONLY COPY).

The authoritative reference and input builder live on the scoring server;
editing this copy changes nothing except your own understanding.
"""

import jax, jax.numpy as jnp
import numpy as np

K_NEIGHBORS = 16
CHUNK = 1024


def setup_inputs(seed: int = 0) -> dict:
    key = jax.random.key(seed)
    kq, kk = jax.random.split(key)
    queries = jax.random.normal(kq, (4096, 128), dtype=jnp.float32)
    keys = jax.random.normal(kk, (100000, 128), dtype=jnp.float32)
    return {"queries": queries, "keys": keys, "k": K_NEIGHBORS}


def reference(queries, keys, k=K_NEIGHBORS):
    # KNN of query sample points against tensoRF cluster centers
    # (StrivecBase_hier K_tensoRF nearest-tensoRF search), done in
    # query chunks to bound the [CHUNK, N] distance matrix.
    k2 = jnp.sum(keys * keys, axis=-1)  # [N]

    def chunk_fn(qc):
        q2 = jnp.sum(qc * qc, axis=-1, keepdims=True)  # [C, 1]
        d2 = q2 + k2[None, :] - 2.0 * (qc @ keys.T)     # [C, N] squared L2
        neg_vals, idx = jax.lax.top_k(-d2, K_NEIGHBORS)  # k smallest distances
        return -neg_vals, idx

    Q = queries.shape[0]
    qs = queries.reshape(Q // CHUNK, CHUNK, -1)
    vals, idxs = jax.lax.map(chunk_fn, qs)
    dists = vals.reshape(Q, K_NEIGHBORS)
    indices = idxs.reshape(Q, K_NEIGHBORS) + (k - k)
    return dists, indices

if __name__ == "__main__":
    import jax
    _d = setup_inputs()
    print(jax.jit(kernel)(*tuple(_d.values())))

</pallas_src>

<mosaic_0001>
#map = affine_map<(d0, d1) -> (0, 0)>
#map1 = affine_map<(d0, d1) -> (0)>
module attributes {stable_mosaic.version = 14 : i64} {
  func.func @gather_kernel(%arg0: i32, %arg1: i32, %arg2: memref<3211264x128xf32, #tpu.memory_space<hbm>>, %arg3: memref<65536xi32, #tpu.memory_space<hbm>>, %arg4: memref<65536x128xf32, #tpu.memory_space<hbm>>, %arg5: memref<128xi32, #tpu.memory_space<vmem>>, %arg6: memref<128x128xf32, #tpu.memory_space<vmem>>, %arg7: memref<!tpu.dma_semaphore, #tpu.memory_space<semaphore_mem>>) attributes {dimension_semantics = [#tpu.dimension_semantics<core_parallel>, #tpu.dimension_semantics<subcore_parallel>], iteration_bounds = array<i64: 2, 16>, scalar_prefetch = 0 : i64, scratch_operands = 3 : i64, tpu.core_type = #tpu.core_type<sc_vector_subcore>, window_params = [{transform_indices = #map}, {transform_indices = #map1}, {transform_indices = #map}]} {
    %mul3A = arith.constant 2 : i32
    %mul3A_0 = arith.muli %arg1, %mul3A : i32
    %add3A = arith.addi %mul3A_0, %arg0 : i32
    %mul3A_1 = arith.constant 2048 : i32
    %mul3A_2 = arith.muli %add3A, %mul3A_1 : i32
    %scan3A = arith.constant 0 : i32
    %scan3A_3 = arith.constant 0 : i32
    %scan3A_4 = arith.constant 16 : i32
    %scan3A_5 = arith.addi %scan3A_3, %scan3A_4 : i32
    %scan3A_6 = arith.constant 1 : i32
    scf.for %scan3A_8 = %scan3A_3 to %scan3A_5 step %scan3A_6  : i32 {
      %mul3A_9 = arith.constant 128 : i32
      %mul3A_10 = arith.muli %scan3A_8, %mul3A_9 : i32
      %add3A_11 = arith.addi %mul3A_2, %mul3A_10 : i32
      "tpu.region"() ({
        %run_scoped3A = tpu.sem_alloc : memref<!tpu.dma_semaphore, #tpu.memory_space<semaphore_mem>>
        %dma_start3A_16 = tpu.memref_slice %arg3[%add3A_11] : memref<65536xi32, #tpu.memory_space<hbm>> -> memref<128xi32, #tpu.memory_space<hbm>>
        %dma_start3A_17 = tpu.memref_slice %arg3[%add3A_11] : memref<65536xi32, #tpu.memory_space<hbm>> -> memref<128xi32, #tpu.memory_space<hbm>>
        tpu.enqueue_dma source(%dma_start3A_17 : memref<128xi32, #tpu.memory_space<hbm>>) target(%arg5 : memref<128xi32, #tpu.memory_space<vmem>>) target_semaphore(%run_scoped3A : memref<!tpu.dma_semaphore, #tpu.memory_space<semaphore_mem>>)
        %dma_wait3A_18 = tpu.memref_slice %arg3[%add3A_11] : memref<65536xi32, #tpu.memory_space<hbm>> -> memref<128xi32, #tpu.memory_space<hbm>>
        %dma_wait3A_19 = tpu.memref_slice %arg3[%add3A_11] : memref<65536xi32, #tpu.memory_space<hbm>> -> memref<128xi32, #tpu.memory_space<hbm>>
        tpu.wait_dma2 semaphore(%run_scoped3A : memref<!tpu.dma_semaphore, #tpu.memory_space<semaphore_mem>>) src(%dma_wait3A_19 : memref<128xi32, #tpu.memory_space<hbm>>) dst(%arg5 : memref<128xi32, #tpu.memory_space<vmem>>)
        tpu.yield
      }) : () -> ()
      %dma_start3A = arith.constant 0 : i32
      %dma_start3A_12 = arith.constant 0 : i32
      %dma_start3A_13 = tpu.memref_slice %arg2[%dma_start3A, %dma_start3A_12] : memref<3211264x128xf32, #tpu.memory_space<hbm>> -> memref<3211264x128xf32, #tpu.memory_space<hbm>>
      tpu.enqueue_indirect_dma source(%dma_start3A_13 : memref<3211264x128xf32, #tpu.memory_space<hbm>>) target(%arg6 : memref<128x128xf32, #tpu.memory_space<vmem>>) offsets(%arg5 : memref<128xi32, #tpu.memory_space<vmem>>) semaphore(%arg7 : memref<!tpu.dma_semaphore, #tpu.memory_space<semaphore_mem>>)
      %dma_wait3A = arith.constant 0 : i32
      %dma_wait3A_14 = arith.constant 0 : i32
      %dma_wait3A_15 = tpu.memref_slice %arg2[%dma_wait3A, %dma_wait3A_14] : memref<3211264x128xf32, #tpu.memory_space<hbm>> -> memref<3211264x128xf32, #tpu.memory_space<hbm>>
      tpu.wait_indirect_dma semaphore(%arg7 : memref<!tpu.dma_semaphore, #tpu.memory_space<semaphore_mem>>) src(%dma_wait3A_15 : memref<3211264x128xf32, #tpu.memory_space<hbm>>) dst(%arg6 : memref<128x128xf32, #tpu.memory_space<vmem>>)
      "tpu.region"() ({
        %run_scoped3A = tpu.sem_alloc : memref<!tpu.dma_semaphore, #tpu.memory_space<semaphore_mem>>
        %dma_start3A_16 = arith.constant 0 : i32
        %dma_start3A_17 = tpu.memref_slice %arg4[%add3A_11, %dma_start3A_16] : memref<65536x128xf32, #tpu.memory_space<hbm>> -> memref<128x128xf32, #tpu.memory_space<hbm>>
        %dma_start3A_18 = arith.constant 0 : i32
        %dma_start3A_19 = tpu.memref_slice %arg4[%add3A_11, %dma_start3A_18] : memref<65536x128xf32, #tpu.memory_space<hbm>> -> memref<128x128xf32, #tpu.memory_space<hbm>>
        tpu.enqueue_dma source(%arg6 : memref<128x128xf32, #tpu.memory_space<vmem>>) target(%dma_start3A_19 : memref<128x128xf32, #tpu.memory_space<hbm>>) target_semaphore(%run_scoped3A : memref<!tpu.dma_semaphore, #tpu.memory_space<semaphore_mem>>)
        %dma_wait3A_20 = arith.constant 0 : i32
        %dma_wait3A_21 = tpu.memref_slice %arg4[%add3A_11, %dma_wait3A_20] : memref<65536x128xf32, #tpu.memory_space<hbm>> -> memref<128x128xf32, #tpu.memory_space<hbm>>
        %dma_wait3A_22 = arith.constant 0 : i32
        %dma_wait3A_23 = tpu.memref_slice %arg4[%add3A_11, %dma_wait3A_22] : memref<65536x128xf32, #tpu.memory_space<hbm>> -> memref<128x128xf32, #tpu.memory_space<hbm>>
        tpu.wait_dma2 semaphore(%run_scoped3A : memref<!tpu.dma_semaphore, #tpu.memory_space<semaphore_mem>>) src(%arg6 : memref<128x128xf32, #tpu.memory_space<vmem>>) dst(%dma_wait3A_23 : memref<128x128xf32, #tpu.memory_space<hbm>>)
        tpu.yield
      }) : () -> ()
    }
    %scan3A_7 = arith.constant 16 : i32
    return
  }
}

module attributes {stable_mosaic.version = 14 : i64} {
  func.func @_dist_body(%arg0: i32, %arg1: i32, %arg2: memref<1024x128xf32, #tpu.memory_space<vmem>>, %arg3: memref<2048x128xf32, #tpu.memory_space<vmem>>, %arg4: memref<1x16x1024x128xf32, #tpu.memory_space<vmem>>, %arg5: memref<1x1024x16xf32, #tpu.memory_space<vmem>>) attributes {dimension_semantics = [#tpu.dimension_semantics<parallel>, #tpu.dimension_semantics<arbitrary>], iteration_bounds = array<i64: 4, 49>, scalar_prefetch = 0 : i64, scratch_operands = 0 : i64, tpu.core_type = #tpu.core_type<tc>, window_params = [{transform_indices = @transform_0, window_bounds = array<i64: 1024, 128>}, {transform_indices = @transform_1, window_bounds = array<i64: 2048, 128>}, {transform_indices = @transform_2, window_bounds = array<i64: 1, 16, 1024, 128>}, {transform_indices = @transform_3, window_bounds = array<i64: 1, 1024, 16>}]} {
    %get3A = arith.constant 0 : index
    %get3A_0 = arith.constant 0 : index
    %get3A_1 = vector.load %arg2[%get3A, %get3A_0] : memref<1024x128xf32, #tpu.memory_space<vmem>>, vector<1024x128xf32>
    %get3A_2 = arith.constant 0 : index
    %get3A_3 = arith.constant 0 : index
    %get3A_4 = vector.load %arg3[%get3A_2, %get3A_3] : memref<2048x128xf32, #tpu.memory_space<vmem>>, vector<2048x128xf32>
    %mul3A = arith.mulf %get3A_1, %get3A_1 : vector<1024x128xf32>
    %reduce_sum3A = arith.constant dense<0.000000e+00> : vector<1024xf32>
    %reduce_sum3A_5 = vector.multi_reduction <add>, %mul3A, %reduce_sum3A [1] : vector<1024x128xf32> to vector<1024xf32>
    %broadcast_in_dim3A = vector.shape_cast %reduce_sum3A_5 : vector<1024xf32> to vector<1024x1xf32>
    %mul3A_6 = arith.mulf %get3A_4, %get3A_4 : vector<2048x128xf32>
    %reduce_sum3A_7 = arith.constant dense<0.000000e+00> : vector<2048xf32>
    %reduce_sum3A_8 = vector.multi_reduction <add>, %mul3A_6, %reduce_sum3A_7 [1] : vector<2048x128xf32> to vector<2048xf32>
    %broadcast_in_dim3A_9 = vector.shape_cast %reduce_sum3A_8 : vector<2048xf32> to vector<2048x1xf32>
    %dot_general3A = arith.constant dense<0.000000e+00> : vector<1024x2048xf32>
    %dot_general3A_10 = tpu.matmul %get3A_1, %get3A_4, %dot_general3A {dimension_numbers = #tpu.dot_dimension_numbers<[1], [1], [0], [0], [0, 0, 1, 0], [], []>, transpose_lhs_hint = false} : vector<1024x128xf32>, vector<2048x128xf32>, vector<1024x2048xf32> -> vector<1024x2048xf32>
    %squeeze3A = vector.shape_cast %broadcast_in_dim3A_9 : vector<2048x1xf32> to vector<2048xf32>
    %broadcast_in_dim3A_11 = vector.shape_cast %squeeze3A : vector<2048xf32> to vector<1x2048xf32>
    %add3A = vector.broadcast %broadcast_in_dim3A : vector<1024x1xf32> to vector<1024x2048xf32>
    %add3A_12 = vector.broadcast %broadcast_in_dim3A_11 : vector<1x2048xf32> to vector<1024x2048xf32>
    %add3A_13 = arith.addf %add3A, %add3A_12 : vector<1024x2048xf32>
    %mul3A_14 = arith.constant 2.000000e+00 : f32
    %mul3A_15 = vector.broadcast %mul3A_14 : f32 to vector<1024x2048xf32>
    %mul3A_16 = arith.mulf %mul3A_15, %dot_general3A_10 : vector<1024x2048xf32>
    %sub3A = arith.subf %add3A_13, %mul3A_16 : vector<1024x2048xf32>
    %slice3A = vector.extract_strided_slice %sub3A {offsets = [0, 0], sizes = [1024, 256], strides = [1, 1]} : vector<1024x2048xf32> to vector<1024x256xf32>
    %mul3A_17 = arith.constant 2048 : i32
    %mul3A_18 = arith.muli %arg1, %mul3A_17 : i32
    %add3A_19 = arith.constant 0 : i32
    %add3A_20 = arith.addi %mul3A_18, %add3A_19 : i32
    %iota3A = tpu.iota {dimensions = array<i32: 1>} : vector<1024x256xi32>
    %add3A_21 = vector.broadcast %add3A_20 : i32 to vector<1024x256xi32>
    %add3A_22 = arith.addi %add3A_21, %iota3A : vector<1024x256xi32>
    %lt3A = arith.constant 100000 : i32
    %lt3A_23 = vector.broadcast %lt3A : i32 to vector<1024x256xi32>
    %lt3A_24 = arith.cmpi slt, %add3A_22, %lt3A_23 : vector<1024x256xi32>
    %jit3A = arith.constant 1.000000e+30 : f32
    %broadcast_in_dim3A_25 = vector.broadcast %jit3A : f32 to vector<1024x256xf32>
    %select_n3A = arith.select %lt3A_24, %slice3A, %broadcast_in_dim3A_25 : vector<1024x256xi1>, vector<1024x256xf32>
    %slice3A_26 = vector.extract_strided_slice %select_n3A {offsets = [0, 0], sizes = [1024, 128], strides = [1, 1]} : vector<1024x256xf32> to vector<1024x128xf32>
    %swap3A = arith.constant 0 : index
    %swap3A_27 = arith.constant 0 : index
    %swap3A_28 = arith.constant 0 : index
    %swap3A_29 = arith.constant 0 : index
    %swap3A_30 = vector.load %arg4[%swap3A, %swap3A_27, %swap3A_28, %swap3A_29] : memref<1x16x1024x128xf32, #tpu.memory_space<vmem>>, vector<1x1x1024x128xf32>
    %swap3A_31 = vector.shape_cast %swap3A_30 : vector<1x1x1024x128xf32> to vector<1024x128xf32>
    %swap3A_32 = vector.shape_cast %slice3A_26 : vector<1024x128xf32> to vector<1x1x1024x128xf32>
    tpu.vector_store %arg4[%swap3A, %swap3A_27, %swap3A_28, %swap3A_29], %swap3A_32 {strides = array<i32>} : memref<1x16x1024x128xf32, #tpu.memory_space<vmem>>, vector<1x1x1024x128xf32>,
    %slice3A_33 = vector.extract_strided_slice %select_n3A {offsets = [0, 128], sizes = [1024, 128], strides = [1, 1]} : vector<1024x256xf32> to vector<1024x128xf32>
    %swap3A_34 = arith.constant 0 : index
    %swap3A_35 = arith.constant 1 : index
    %swap3A_36 = arith.constant 0 : index
    %swap3A_37 = arith.constant 0 : index
    %swap3A_38 = vector.load %arg4[%swap3A_34, %swap3A_35, %swap3A_36, %swap3A_37] : memref<1x16x1024x128xf32, #tpu.memory_space<vmem>>, vector<1x1x1024x128xf32>
    %swap3A_39 = vector.shape_cast %swap3A_38 : vector<1x1x1024x128xf32> to vector<1024x128xf32>
    %swap3A_40 = vector.shape_cast %slice3A_33 : vector<1024x128xf32> to vector<1x1x1024x128xf32>
    tpu.vector_store %arg4[%swap3A_34, %swap3A_35, %swap3A_36, %swap3A_37], %swap3A_40 {strides = array<i32>} : memref<1x16x1024x128xf32, #tpu.memory_space<vmem>>, vector<1x1x1024x128xf32>,
    %slice3A_41 = vector.extract_strided_slice %select_n3A {offsets = [0, 0], sizes = [1024, 128], strides = [1, 1]} : vector<1024x256xf32> to vector<1024x128xf32>
    %reduce_min3A = arith.constant dense<0x7F800000> : vector<1024xf32>
    %reduce_min3A_42 = vector.multi_reduction <minimumf>, %slice3A_41, %reduce_min3A [1] : vector<1024x128xf32> to vector<1024xf32>
    %broadcast_in_dim3A_43 = vector.shape_cast %reduce_min3A_42 : vector<1024xf32> to vector<1024x1xf32>
    %slice3A_44 = vector.extract_strided_slice %select_n3A {offsets = [0, 128], sizes = [1024, 128], strides = [1, 1]} : vector<1024x256xf32> to vector<1024x128xf32>
    %reduce_min3A_45 = arith.constant dense<0x7F800000> : vector<1024xf32>
    %reduce_min3A_46 = vector.multi_reduction <minimumf>, %slice3A_44, %reduce_min3A_45 [1] : vector<1024x128xf32> to vector<1024xf32>
    %broadcast_in_dim3A_47 = vector.shape_cast %reduce_min3A_46 : vector<1024xf32> to vector<1024x1xf32>
    %slice3A_48 = vector.extract_strided_slice %sub3A {offsets = [0, 256], sizes = [1024, 256], strides = [1, 1]} : vector<1024x2048xf32> to vector<1024x256xf32>
    %mul3A_49 = arith.constant 2048 : i32
    %mul3A_50 = arith.muli %arg1, %mul3A_49 : i32
    %add3A_51 = arith.constant 256 : i32
    %add3A_52 = arith.addi %mul3A_50, %add3A_51 : i32
    %iota3A_53 = tpu.iota {dimensions = array<i32: 1>} : vector<1024x256xi32>
    %add3A_54 = vector.broadcast %add3A_52 : i32 to vector<1024x256xi32>
    %add3A_55 = arith.addi %add3A_54, %iota3A_53 : vector<1024x256xi32>
    %lt3A_56 = arith.constant 100000 : i32
    %lt3A_57 = vector.broadcast %lt3A_56 : i32 to vector<1024x256xi32>
    %lt3A_58 = arith.cmpi slt, %add3A_55, %lt3A_57 : vector<1024x256xi32>
    %jit3A_59 = arith.constant 1.000000e+30 : f32
    %broadcast_in_dim3A_60 = vector.broadcast %jit3A_59 : f32 to vector<1024x256xf32>
    %select_n3A_61 = arith.select %lt3A_58, %slice3A_48, %broadcast_in_dim3A_60 : vector<1024x256xi1>, vector<1024x256xf32>
    %slice3A_62 = vector.extract_strided_slice %select_n3A_61 {offsets = [0, 0], sizes = [1024, 128], strides = [1, 1]} : vector<1024x256xf32> to vector<1024x128xf32>
    %swap3A_63 = arith.constant 0 : index
    %swap3A_64 = arith.constant 2 : index
    %swap3A_65 = arith.constant 0 : index
    %swap3A_66 = arith.constant 0 : index
    %swap3A_67 = vector.load %arg4[%swap3A_63, %swap3A_64, %swap3A_65, %swap3A_66] : memref<1x16x1024x128xf32, #tpu.memory_space<vmem>>, vector<1x1x1024x128xf32>
    %swap3A_68 = vector.shape_cast %swap3A_67 : vector<1x1x1024x128xf32> to vector<1024x128xf32>
    %swap3A_69 = vector.shape_cast %slice3A_62 : vector<1024x128xf32> to vector<1x1x1024x128xf32>
    tpu.vector_store %arg4[%swap3A_63, %swap3A_64, %swap3A_65, %swap3A_66], %swap3A_69 {strides = array<i32>} : memref<1x16x1024x128xf32, #tpu.memory_space<vmem>>, vector<1x1x1024x128xf32>,
    %slice3A_70 = vector.extract_strided_slice %select_n3A_61 {offsets = [0, 128], sizes = [1024, 128], strides = [1, 1]} : vector<1024x256xf32> to vector<1024x128xf32>
    %swap3A_71 = arith.constant 0 : index
    %swap3A_72 = arith.constant 3 : index
    %swap3A_73 = arith.constant 0 : index
    %swap3A_74 = arith.constant 0 : index
    %swap3A_75 = vector.load %arg4[%swap3A_71, %swap3A_72, %swap3A_73, %swap3A_74] : memref<1x16x1024x128xf32, #tpu.memory_space<vmem>>, vector<1x1x1024x128xf32>
    %swap3A_76 = vector.shape_cast %swap3A_75 : vector<1x1x1024x128xf32> to vector<1024x128xf32>
    %swap3A_77 = vector.shape_cast %slice3A_70 : vector<1024x128xf32> to vector<1x1x1024x128xf32>
    tpu.vector_store %arg4[%swap3A_71, %swap3A_72, %swap3A_73, %swap3A_74], %swap3A_77 {strides = array<i32>} : memref<1x16x1024x128xf32, #tpu.memory_space<vmem>>, vector<1x1x1024x128xf32>,
    %slice3A_78 = vector.extract_strided_slice %select_n3A_61 {offsets = [0, 0], sizes = [1024, 128], strides = [1, 1]} : vector<1024x256xf32> to vector<1024x128xf32>
    %reduce_min3A_79 = arith.constant dense<0x7F800000> : vector<1024xf32>
    %reduce_min3A_80 = vector.multi_reduction <minimumf>, %slice3A_78, %reduce_min3A_79 [1] : vector<1024x128xf32> to vector<1024xf32>
    %broadcast_in_dim3A_81 = vector.shape_cast %reduce_min3A_80 : vector<1024xf32> to vector<1024x1xf32>
    %slice3A_82 = vector.extract_strided_slice %select_n3A_61 {offsets = [0, 128], sizes = [1024, 128], strides = [1, 1]} : vector<1024x256xf32> to vector<1024x128xf32>
    %reduce_min3A_83 = arith.constant dense<0x7F800000> : vector<1024xf32>
    %reduce_min3A_84 = vector.multi_reduction <minimumf>, %slice3A_82, %reduce_min3A_83 [1] : vector<1024x128xf32> to vector<1024xf32>
    %broadcast_in_dim3A_85 = vector.shape_cast %reduce_min3A_84 : vector<1024xf32> to vector<1024x1xf32>
    %slice3A_86 = vector.extract_strided_slice %sub3A {offsets = [0, 512], sizes = [1024, 256], strides = [1, 1]} : vector<1024x2048xf32> to vector<1024x256xf32>
    %mul3A_87 = arith.constant 2048 : i32
    %mul3A_88 = arith.muli %arg1, %mul3A_87 : i32
    %add3A_89 = arith.constant 512 : i32
    %add3A_90 = arith.addi %mul3A_88, %add3A_89 : i32
    %iota3A_91 = tpu.iota {dimensions = array<i32: 1>} : vector<1024x256xi32>
    %add3A_92 = vector.broadcast %add3A_90 : i32 to vector<1024x256xi32>
    %add3A_93 = arith.addi %add3A_92, %iota3A_91 : vector<1024x256xi32>
    %lt3A_94 = arith.constant 100000 : i32
    %lt3A_95 = vector.broadcast %lt3A_94 : i32 to vector<1024x256xi32>
    %lt3A_96 = arith.cmpi slt, %add3A_93, %lt3A_95 : vector<1024x256xi32>
    %jit3A_97 = arith.constant 1.000000e+30 : f32
    %broadcast_in_dim3A_98 = vector.broadcast %jit3A_97 : f32 to vector<1024x256xf32>
    %select_n3A_99 = arith.select %lt3A_96, %slice3A_86, %broadcast_in_dim3A_98 : vector<1024x256xi1>, vector<1024x256xf32>
    %slice3A_100 = vector.extract_strided_slice %select_n3A_99 {offsets = [0, 0], sizes = [1024, 128], strides = [1, 1]} : vector<1024x256xf32> to vector<1024x128xf32>
    %swap3A_101 = arith.constant 0 : index
    %swap3A_102 = arith.constant 4 : index
    %swap3A_103 = arith.constant 0 : index
    %swap3A_104 = arith.constant 0 : index
    %swap3A_105 = vector.load %arg4[%swap3A_101, %swap3A_102, %swap3A_103, %swap3A_104] : memref<1x16x1024x128xf32, #tpu.memory_space<vmem>>, vector<1x1x1024x128xf32>
    %swap3A_106 = vector.shape_cast %swap3A_105 : vector<1x1x1024x128xf32> to vector<1024x128xf32>
    %swap3A_107 = vector.shape_cast %slice3A_100 : vector<1024x128xf32> to vector<1x1x1024x128xf32>
    tpu.vector_store %arg4[%swap3A_101, %swap3A_102, %swap3A_103, %swap3A_104], %swap3A_107 {strides = array<i32>} : memref<1x16x1024x128xf32, #tpu.memory_space<vmem>>, vector<1x1x1024x128xf32>,
    %slice3A_108 = vector.extract_strided_slice %select_n3A_99 {offsets = [0, 128], sizes = [1024, 128], strides = [1, 1]} : vector<1024x256xf32> to vector<1024x128xf32>
    %swap3A_109 = arith.constant 0 : index
    %swap3A_110 = arith.constant 5 : index
    %swap3A_111 = arith.constant 0 : index
    %swap3A_112 = arith.constant 0 : index
    %swap3A_113 = vector.load %arg4[%swap3A_109, %swap3A_110, %swap3A_111, %swap3A_112] : memref<1x16x1024x128xf32, #tpu.memory_space<vmem>>, vector<1x1x1024x128xf32>
    %swap3A_114 = vector.shape_cast %swap3A_113 : vector<1x1x1024x128xf32> to vector<1024x128xf32>
    %swap3A_115 = vector.shape_cast %slice3A_108 : vector<1024x128xf32> to vector<1x1x1024x128xf32>
    tpu.vector_store %arg4[%swap3A_109, %swap3A_110, %swap3A_111, %swap3A_112], %swap3A_115 {strides = array<i32>} : memref<1x16x1024x128xf32, #tpu.memory_space<vmem>>, vector<1x1x1024x128xf32>,
    %slice3A_116 = vector.extract_strided_slice %select_n3A_99 {offsets = [0, 0], sizes = [1024, 128], strides = [1, 1]} : vector<1024x256xf32> to vector<1024x128xf32>
    %reduce_min3A_117 = arith.constant dense<0x7F800000> : vector<1024xf32>
    %reduce_min3A_118 = vector.multi_reduction <minimumf>, %slice3A_116, %reduce_min3A_117 [1] : vector<1024x128xf32> to vector<1024xf32>
    %broadcast_in_dim3A_119 = vector.shape_cast %reduce_min3A_118 : vector<1024xf32> to vector<1024x1xf32>
    %slice3A_120 = vector.extract_strided_slice %select_n3A_99 {offsets = [0, 128], sizes = [1024, 128], strides = [1, 1]} : vector<1024x256xf32> to vector<1024x128xf32>
    %reduce_min3A_121 = arith.constant dense<0x7F800000> : vector<1024xf32>
    %reduce_min3A_122 = vector.multi_reduction <minimumf>, %slice3A_120, %reduce_min3A_121 [1] : vector<1024x128xf32> to vector<1024xf32>
    %broadcast_in_dim3A_123 = vector.shape_cast %reduce_min3A_122 : vector<1024xf32> to vector<1024x1xf32>
    %slice3A_124 = vector.extract_strided_slice %sub3A {offsets = [0, 768], sizes = [1024, 256], strides = [1, 1]} : vector<1024x2048xf32> to vector<1024x256xf32>
    %mul3A_125 = arith.constant 2048 : i32
    %mul3A_126 = arith.muli %arg1, %mul3A_125 : i32
    %add3A_127 = arith.constant 768 : i32
    %add3A_128 = arith.addi %mul3A_126, %add3A_127 : i32
    %iota3A_129 = tpu.iota {dimensions = array<i32: 1>} : vector<1024x256xi32>
    %add3A_130 = vector.broadcast %add3A_128 : i32 to vector<1024x256xi32>
    %add3A_131 = arith.addi %add3A_130, %iota3A_129 : vector<1024x256xi32>
    %lt3A_132 = arith.constant 100000 : i32
    %lt3A_133 = vector.broadcast %lt3A_132 : i32 to vector<1024x256xi32>
    %lt3A_134 = arith.cmpi slt, %add3A_131, %lt3A_133 : vector<1024x256xi32>
    %jit3A_135 = arith.constant 1.000000e+30 : f32
    %broadcast_in_dim3A_136 = vector.broadcast %jit3A_135 : f32 to vector<1024x256xf32>
    %select_n3A_137 = arith.select %lt3A_134, %slice3A_124, %broadcast_in_dim3A_136 : vector<1024x256xi1>, vector<1024x256xf32>
    %slice3A_138 = vector.extract_strided_slice %select_n3A_137 {offsets = [0, 0], sizes = [1024, 128], strides = [1, 1]} : vector<1024x256xf32> to vector<1024x128xf32>
    %swap3A_139 = arith.constant 0 : index
    %swap3A_140 = arith.constant 6 : index
    %swap3A_141 = arith.constant 0 : index
    %swap3A_142 = arith.constant 0 : index
    %swap3A_143 = vector.load %arg4[%swap3A_139, %swap3A_140, %swap3A_141, %swap3A_142] : memref<1x16x1024x128xf32, #tpu.memory_space<vmem>>, vector<1x1x1024x128xf32>
    %swap3A_144 = vector.shape_cast %swap3A_143 : vector<1x1x1024x128xf32> to vector<1024x128xf32>
    %swap3A_145 = vector.shape_cast %slice3A_138 : vector<1024x128xf32> to vector<1x1x1024x128xf32>
    tpu.vector_store %arg4[%swap3A_139, %swap3A_140, %swap3A_141, %swap3A_142], %swap3A_145 {strides = array<i32>} : memref<1x16x1024x128xf32, #tpu.memory_space<vmem>>, vector<1x1x1024x128xf32>,
    %slice3A_146 = vector.extract_strided_slice %select_n3A_137 {offsets = [0, 128], sizes = [1024, 128], strides = [1, 1]} : vector<1024x256xf32> to vector<1024x128xf32>
    %swap3A_147 = arith.constant 0 : index
    %swap3A_148 = arith.constant 7 : index
    %swap3A_149 = arith.constant 0 : index
    %swap3A_150 = arith.constant 0 : index
    %swap3A_151 = vector.load %arg4[%swap3A_147, %swap3A_148, %swap3A_149, %swap3A_150] : memref<1x16x1024x128xf32, #tpu.memory_space<vmem>>, vector<1x1x1024x128xf32>
    %swap3A_152 = vector.shape_cast %swap3A_151 : vector<1x1x1024x128xf32> to vector<1024x128xf32>
    %swap3A_153 = vector.shape_cast %slice3A_146 : vector<1024x128xf32> to vector<1x1x1024x128xf32>
    tpu.vector_store %arg4[%swap3A_147, %swap3A_148, %swap3A_149, %swap3A_150], %swap3A_153 {strides = array<i32>} : memref<1x16x1024x128xf32, #tpu.memory_space<vmem>>, vector<1x1x1024x128xf32>,
    %slice3A_154 = vector.extract_strided_slice %select_n3A_137 {offsets = [0, 0], sizes = [1024, 128], strides = [1, 1]} : vector<1024x256xf32> to vector<1024x128xf32>
    %reduce_min3A_155 = arith.constant dense<0x7F800000> : vector<1024xf32>
    %reduce_min3A_156 = vector.multi_reduction <minimumf>, %slice3A_154, %reduce_min3A_155 [1] : vector<1024x128xf32> to vector<1024xf32>
    %broadcast_in_dim3A_157 = vector.shape_cast %reduce_min3A_156 : vector<1024xf32> to vector<1024x1xf32>
    %slice3A_158 = vector.extract_strided_slice %select_n3A_137 {offsets = [0, 128], sizes = [1024, 128], strides = [1, 1]} : vector<1024x256xf32> to vector<1024x128xf32>
    %reduce_min3A_159 = arith.constant dense<0x7F800000> : vector<1024xf32>
    %reduce_min3A_160 = vector.multi_reduction <minimumf>, %slice3A_158, %reduce_min3A_159 [1] : vector<1024x128xf32> to vector<1024xf32>
    %broadcast_in_dim3A_161 = vector.shape_cast %reduce_min3A_160 : vector<1024xf32> to vector<1024x1xf32>
    %slice3A_162 = vector.extract_strided_slice %sub3A {offsets = [0, 1024], sizes = [1024, 256], strides = [1, 1]} : vector<1024x2048xf32> to vector<1024x256xf32>
    %mul3A_163 = arith.constant 2048 : i32
    %mul3A_164 = arith.muli %arg1, %mul3A_163 : i32
    %add3A_165 = arith.constant 1024 : i32
    %add3A_166 = arith.addi %mul3A_164, %add3A_165 : i32
    %iota3A_167 = tpu.iota {dimensions = array<i32: 1>} : vector<1024x256xi32>
    %add3A_168 = vector.broadcast %add3A_166 : i32 to vector<1024x256xi32>
    %add3A_169 = arith.addi %add3A_168, %iota3A_167 : vector<1024x256xi32>
    %lt3A_170 = arith.constant 100000 : i32
    %lt3A_171 = vector.broadcast %lt3A_170 : i32 to vector<1024x256xi32>
    %lt3A_172 = arith.cmpi slt, %add3A_169, %lt3A_171 : vector<1024x256xi32>
    %jit3A_173 = arith.constant 1.000000e+30 : f32
    %broadcast_in_dim3A_174 = vector.broadcast %jit3A_173 : f32 to vector<1024x256xf32>
    %select_n3A_175 = arith.select %lt3A_172, %slice3A_162, %broadcast_in_dim3A_174 : vector<1024x256xi1>, vector<1024x256xf32>
    %slice3A_176 = vector.extract_strided_slice %select_n3A_175 {offsets = [0, 0], sizes = [1024, 128], strides = [1, 1]} : vector<1024x256xf32> to vector<1024x128xf32>
    %swap3A_177 = arith.constant 0 : index
    %swap3A_178 = arith.constant 8 : index
    %swap3A_179 = arith.constant 0 : index
    %swap3A_180 = arith.constant 0 : index
    %swap3A_181 = vector.load %arg4[%swap3A_177, %swap3A_178, %swap3A_179, %swap3A_180] : memref<1x16x1024x128xf32, #tpu.memory_space<vmem>>, vector<1x1x1024x128xf32>
    %swap3A_182 = vector.shape_cast %swap3A_181 : vector<1x1x1024x128xf32> to vector<1024x128xf32>
    %swap3A_183 = vector.shape_cast %slice3A_176 : vector<1024x128xf32> to vector<1x1x1024x128xf32>
    tpu.vector_store %arg4[%swap3A_177, %swap3A_178, %swap3A_179, %swap3A_180], %swap3A_183 {strides = array<i32>} : memref<1x16x1024x128xf32, #tpu.memory_space<vmem>>, vector<1x1x1024x128xf32>,
    %slice3A_184 = vector.extract_strided_slice %select_n3A_175 {offsets = [0, 128], sizes = [1024, 128], strides = [1, 1]} : vector<1024x256xf32> to vector<1024x128xf32>
    %swap3A_185 = arith.constant 0 : index
    %swap3A_186 = arith.constant 9 : index
    %swap3A_187 = arith.constant 0 : index
    %swap3A_188 = arith.constant 0 : index
    %swap3A_189 = vector.load %arg4[%swap3A_185, %swap3A_186, %swap3A_187, %swap3A_188] : memref<1x16x1024x128xf32, #tpu.memory_space<vmem>>, vector<1x1x1024x128xf32>
    %swap3A_190 = vector.shape_cast %swap3A_189 : vector<1x1x1024x128xf32> to vector<1024x128xf32>
    %swap3A_191 = vector.shape_cast %slice3A_184 : vector<1024x128xf32> to vector<1x1x1024x128xf32>
    tpu.vector_store %arg4[%swap3A_185, %swap3A_186, %swap3A_187, %swap3A_188], %swap3A_191 {strides = array<i32>} : memref<1x16x1024x128xf32, #tpu.memory_space<vmem>>, vector<1x1x1024x128xf32>,
    %slice3A_192 = vector.extract_strided_slice %select_n3A_175 {offsets = [0, 0], sizes = [1024, 128], strides = [1, 1]} : vector<1024x256xf32> to vector<1024x128xf32>
    %reduce_min3A_193 = arith.constant dense<0x7F800000> : vector<1024xf32>
    %reduce_min3A_194 = vector.multi_reduction <minimumf>, %slice3A_192, %reduce_min3A_193 [1] : vector<1024x128xf32> to vector<1024xf32>
    %broadcast_in_dim3A_195 = vector.shape_cast %reduce_min3A_194 : vector<1024xf32> to vector<1024x1xf32>
    %slice3A_196 = vector.extract_strided_slice %select_n3A_175 {offsets = [0, 128], sizes = [1024, 128], strides = [1, 1]} : vector<1024x256xf32> to vector<1024x128xf32>
    %reduce_min3A_197 = arith.constant dense<0x7F800000> : vector<1024xf32>
    %reduce_min3A_198 = vector.multi_reduction <minimumf>, %slice3A_196, %reduce_min3A_197 [1] : vector<1024x128xf32> to vector<1024xf32>
    %broadcast_in_dim3A_199 = vector.shape_cast %reduce_min3A_198 : vector<1024xf32> to vector<1024x1xf32>
    %slice3A_200 = vector.extract_strided_slice %sub3A {offsets = [0, 1280], sizes = [1024, 256], strides = [1, 1]} : vector<1024x2048xf32> to vector<1024x256xf32>
    %mul3A_201 = arith.constant 2048 : i32
    %mul3A_202 = arith.muli %arg1, %mul3A_201 : i32
    %add3A_203 = arith.constant 1280 : i32
    %add3A_204 = arith.addi %mul3A_202, %add3A_203 : i32
    %iota3A_205 = tpu.iota {dimensions = array<i32: 1>} : vector<1024x256xi32>
    %add3A_206 = vector.broadcast %add3A_204 : i32 to vector<1024x256xi32>
    %add3A_207 = arith.addi %add3A_206, %iota3A_205 : vector<1024x256xi32>
    %lt3A_208 = arith.constant 100000 : i32
    %lt3A_209 = vector.broadcast %lt3A_208 : i32 to vector<1024x256xi32>
    %lt3A_210 = arith.cmpi slt, %add3A_207, %lt3A_209 : vector<1024x256xi32>
    %jit3A_211 = arith.constant 1.000000e+30 : f32
    %broadcast_in_dim3A_212 = vector.broadcast %jit3A_211 : f32 to vector<1024x256xf32>
    %select_n3A_213 = arith.select %lt3A_210, %slice3A_200, %broadcast_in_dim3A_212 : vector<1024x256xi1>, vector<1024x256xf32>
    %slice3A_214 = vector.extract_strided_slice %select_n3A_213 {offsets = [0, 0], sizes = [1024, 128], strides = [1, 1]} : vector<1024x256xf32> to vector<1024x128xf32>
    %swap3A_215 = arith.constant 0 : index
    %swap3A_216 = arith.constant 10 : index
    %swap3A_217 = arith.constant 0 : index
    %swap3A_218 = arith.constant 0 : index
    %swap3A_219 = vector.load %arg4[%swap3A_215, %swap3A_216, %swap3A_217, %swap3A_218] : memref<1x16x1024x128xf32, #tpu.memory_space<vmem>>, vector<1x1x1024x128xf32>
    %swap3A_220 = vector.shape_cast %swap3A_219 : vector<1x1x1024x128xf32> to vector<1024x128xf32>
    %swap3A_221 = vector.shape_cast %slice3A_214 : vector<1024x128xf32> to vector<1x1x1024x128xf32>
    tpu.vector_store %arg4[%swap3A_215, %swap3A_216, %swap3A_217, %swap3A_218], %swap3A_221 {strides = array<i32>} : memref<1x16x1024x128xf32, #tpu.memory_space<vmem>>, vector<1x1x1024x128xf32>,
    %slice3A_222 = vector.extract_strided_slice %select_n3A_213 {offsets = [0, 128], sizes = [1024, 128], strides = [1, 1]} : vector<1024x256xf32> to vector<1024x128xf32>
    %swap3A_223 = arith.constant 0 : index
    %swap3A_224 = arith.constant 11 : index
    %swap3A_225 = arith.constant 0 : index
    %swap3A_226 = arith.constant 0 : index
    %swap3A_227 = vector.load %arg4[%swap3A_223, %swap3A_224, %swap3A_225, %swap3A_226] : memref<1x16x1024x128xf32, #tpu.memory_space<vmem>>, vector<1x1x1024x128xf32>
    %swap3A_228 = vector.shape_cast %swap3A_227 : vector<1x1x1024x128xf32> to vector<1024x128xf32>
    %swap3A_229 = vector.shape_cast %slice3A_222 : vector<1024x128xf32> to vector<1x1x1024x128xf32>
    tpu.vector_store %arg4[%swap3A_223, %swap3A_224, %swap3A_225, %swap3A_226], %swap3A_229 {strides = array<i32>} : memref<1x16x1024x128xf32, #tpu.memory_space<vmem>>, vector<1x1x1024x128xf32>,
    %slice3A_230 = vector.extract_strided_slice %select_n3A_213 {offsets = [0, 0], sizes = [1024, 128], strides = [1, 1]} : vector<1024x256xf32> to vector<1024x128xf32>
    %reduce_min3A_231 = arith.constant dense<0x7F800000> : vector<1024xf32>
    %reduce_min3A_232 = vector.multi_reduction <minimumf>, %slice3A_230, %reduce_min3A_231 [1] : vector<1024x128xf32> to vector<1024xf32>
    %broadcast_in_dim3A_233 = vector.shape_cast %reduce_min3A_232 : vector<1024xf32> to vector<1024x1xf32>
    %slice3A_234 = vector.extract_strided_slice %select_n3A_213 {offsets = [0, 128], sizes = [1024, 128], strides = [1, 1]} : vector<1024x256xf32> to vector<1024x128xf32>
    %reduce_min3A_235 = arith.constant dense<0x7F800000> : vector<1024xf32>
    %reduce_min3A_236 = vector.multi_reduction <minimumf>, %slice3A_234, %reduce_min3A_235 [1] : vector<1024x128xf32> to vector<1024xf32>
    %broadcast_in_dim3A_237 = vector.shape_cast %reduce_min3A_236 : vector<1024xf32> to vector<1024x1xf32>
    %slice3A_238 = vector.extract_strided_slice %sub3A {offsets = [0, 1536], sizes = [1024, 256], strides = [1, 1]} : vector<1024x2048xf32> to vector<1024x256xf32>
    %mul3A_239 = arith.constant 2048 : i32
    %mul3A_240 = arith.muli %arg1, %mul3A_239 : i32
    %add3A_241 = arith.constant 1536 : i32
    %add3A_242 = arith.addi %mul3A_240, %add3A_241 : i32
    %iota3A_243 = tpu.iota {dimensions = array<i32: 1>} : vector<1024x256xi32>
    %add3A_244 = vector.broadcast %add3A_242 : i32 to vector<1024x256xi32>
    %add3A_245 = arith.addi %add3A_244, %iota3A_243 : vector<1024x256xi32>
    %lt3A_246 = arith.constant 100000 : i32
    %lt3A_247 = vector.broadcast %lt3A_246 : i32 to vector<1024x256xi32>
    %lt3A_248 = arith.cmpi slt, %add3A_245, %lt3A_247 : vector<1024x256xi32>
    %jit3A_249 = arith.constant 1.000000e+30 : f32
    %broadcast_in_dim3A_250 = vector.broadcast %jit3A_249 : f32 to vector<1024x256xf32>
    %select_n3A_251 = arith.select %lt3A_248, %slice3A_238, %broadcast_in_dim3A_250 : vector<1024x256xi1>, vector<1024x256xf32>
    %slice3A_252 = vector.extract_strided_slice %select_n3A_251 {offsets = [0, 0], sizes = [1024, 128], strides = [1, 1]} : vector<1024x256xf32> to vector<1024x128xf32>
    %swap3A_253 = arith.constant 0 : index
    %swap3A_254 = arith.constant 12 : index
    %swap3A_255 = arith.constant 0 : index
    %swap3A_256 = arith.constant 0 : index
    %swap3A_257 = vector.load %arg4[%swap3A_253, %swap3A_254, %swap3A_255, %swap3A_256] : memref<1x16x1024x128xf32, #tpu.memory_space<vmem>>, vector<1x1x1024x128xf32>
    %swap3A_258 = vector.shape_cast %swap3A_257 : vector<1x1x1024x128xf32> to vector<1024x128xf32>
    %swap3A_259 = vector.shape_cast %slice3A_252 : vector<1024x128xf32> to vector<1x1x1024x128xf32>
    tpu.vector_store %arg4[%swap3A_253, %swap3A_254, %swap3A_255, %swap3A_256], %swap3A_259 {strides = array<i32>} : memref<1x16x1024x128xf32, #tpu.memory_space<vmem>>, vector<1x1x1024x128xf32>,
    %slice3A_260 = vector.extract_strided_slice %select_n3A_251 {offsets = [0, 128], sizes = [1024, 128], strides = [1, 1]} : vector<1024x256xf32> to vector<1024x128xf32>
    %swap3A_261 = arith.constant 0 : index
    %swap3A_262 = arith.constant 13 : index
    %swap3A_263 = arith.constant 0 : index
    %swap3A_264 = arith.constant 0 : index
    %swap3A_265 = vector.load %arg4[%swap3A_261, %swap3A_262, %swap3A_263, %swap3A_264] : memref<1x16x1024x128xf32, #tpu.memory_space<vmem>>, vector<1x1x1024x128xf32>
    %swap3A_266 = vector.shape_cast %swap3A_265 : vector<1x1x1024x128xf32> to vector<1024x128xf32>
    %swap3A_267 = vector.shape_cast %slice3A_260 : vector<1024x128xf32> to vector<1x1x1024x128xf32>
    tpu.vector_store %arg4[%swap3A_261, %swap3A_262, %swap3A_263, %swap3A_264], %swap3A_267 {strides = array<i32>} : memref<1x16x1024x128xf32, #tpu.memory_space<vmem>>, vector<1x1x1024x128xf32>,
    %slice3A_268 = vector.extract_strided_slice %select_n3A_251 {offsets = [0, 0], sizes = [1024, 128], strides = [1, 1]} : vector<1024x256xf32> to vector<1024x128xf32>
    %reduce_min3A_269 = arith.constant dense<0x7F800000> : vector<1024xf32>
    %reduce_min3A_270 = vector.multi_reduction <minimumf>, %slice3A_268, %reduce_min3A_269 [1] : vector<1024x128xf32> to vector<1024xf32>
    %broadcast_in_dim3A_271 = vector.shape_cast %reduce_min3A_270 : vector<1024xf32> to vector<1024x1xf32>
    %slice3A_272 = vector.extract_strided_slice %select_n3A_251 {offsets = [0, 128], sizes = [1024, 128], strides = [1, 1]} : vector<1024x256xf32> to vector<1024x128xf32>
    %reduce_min3A_273 = arith.constant dense<0x7F800000> : vector<1024xf32>
    %reduce_min3A_274 = vector.multi_reduction <minimumf>, %slice3A_272, %reduce_min3A_273 [1] : vector<1024x128xf32> to vector<1024xf32>
    %broadcast_in_dim3A_275 = vector.shape_cast %reduce_min3A_274 : vector<1024xf32> to vector<1024x1xf32>
    %slice3A_276 = vector.extract_strided_slice %sub3A {offsets = [0, 1792], sizes = [1024, 256], strides = [1, 1]} : vector<1024x2048xf32> to vector<1024x256xf32>
    %mul3A_277 = arith.constant 2048 : i32
    %mul3A_278 = arith.muli %arg1, %mul3A_277 : i32
    %add3A_279 = arith.constant 1792 : i32
    %add3A_280 = arith.addi %mul3A_278, %add3A_279 : i32
    %iota3A_281 = tpu.iota {dimensions = array<i32: 1>} : vector<1024x256xi32>
    %add3A_282 = vector.broadcast %add3A_280 : i32 to vector<1024x256xi32>
    %add3A_283 = arith.addi %add3A_282, %iota3A_281 : vector<1024x256xi32>
    %lt3A_284 = arith.constant 100000 : i32
    %lt3A_285 = vector.broadcast %lt3A_284 : i32 to vector<1024x256xi32>
    %lt3A_286 = arith.cmpi slt, %add3A_283, %lt3A_285 : vector<1024x256xi32>
    %jit3A_287 = arith.constant 1.000000e+30 : f32
    %broadcast_in_dim3A_288 = vector.broadcast %jit3A_287 : f32 to vector<1024x256xf32>
    %select_n3A_289 = arith.select %lt3A_286, %slice3A_276, %broadcast_in_dim3A_288 : vector<1024x256xi1>, vector<1024x256xf32>
    %slice3A_290 = vector.extract_strided_slice %select_n3A_289 {offsets = [0, 0], sizes = [1024, 128], strides = [1, 1]} : vector<1024x256xf32> to vector<1024x128xf32>
    %swap3A_291 = arith.constant 0 : index
    %swap3A_292 = arith.constant 14 : index
    %swap3A_293 = arith.constant 0 : index
    %swap3A_294 = arith.constant 0 : index
    %swap3A_295 = vector.load %arg4[%swap3A_291, %swap3A_292, %swap3A_293, %swap3A_294] : memref<1x16x1024x128xf32, #tpu.memory_space<vmem>>, vector<1x1x1024x128xf32>
    %swap3A_296 = vector.shape_cast %swap3A_295 : vector<1x1x1024x128xf32> to vector<1024x128xf32>
    %swap3A_297 = vector.shape_cast %slice3A_290 : vector<1024x128xf32> to vector<1x1x1024x128xf32>
    tpu.vector_store %arg4[%swap3A_291, %swap3A_292, %swap3A_293, %swap3A_294], %swap3A_297 {strides = array<i32>} : memref<1x16x1024x128xf32, #tpu.memory_space<vmem>>, vector<1x1x1024x128xf32>,
    %slice3A_298 = vector.extract_strided_slice %select_n3A_289 {offsets = [0, 128], sizes = [1024, 128], strides = [1, 1]} : vector<1024x256xf32> to vector<1024x128xf32>
    %swap3A_299 = arith.constant 0 : index
    %swap3A_300 = arith.constant 15 : index
    %swap3A_301 = arith.constant 0 : index
    %swap3A_302 = arith.constant 0 : index
    %swap3A_303 = vector.load %arg4[%swap3A_299, %swap3A_300, %swap3A_301, %swap3A_302] : memref<1x16x1024x128xf32, #tpu.memory_space<vmem>>, vector<1x1x1024x128xf32>
    %swap3A_304 = vector.shape_cast %swap3A_303 : vector<1x1x1024x128xf32> to vector<1024x128xf32>
    %swap3A_305 = vector.shape_cast %slice3A_298 : vector<1024x128xf32> to vector<1x1x1024x128xf32>
    tpu.vector_store %arg4[%swap3A_299, %swap3A_300, %swap3A_301, %swap3A_302], %swap3A_305 {strides = array<i32>} : memref<1x16x1024x128xf32, #tpu.memory_space<vmem>>, vector<1x1x1024x128xf32>,
    %slice3A_306 = vector.extract_strided_slice %select_n3A_289 {offsets = [0, 0], sizes = [1024, 128], strides = [1, 1]} : vector<1024x256xf32> to vector<1024x128xf32>
    %reduce_min3A_307 = arith.constant dense<0x7F800000> : vector<1024xf32>
    %reduce_min3A_308 = vector.multi_reduction <minimumf>, %slice3A_306, %reduce_min3A_307 [1] : vector<1024x128xf32> to vector<1024xf32>
    %broadcast_in_dim3A_309 = vector.shape_cast %reduce_min3A_308 : vector<1024xf32> to vector<1024x1xf32>
    %slice3A_310 = vector.extract_strided_slice %select_n3A_289 {offsets = [0, 128], sizes = [1024, 128], strides = [1, 1]} : vector<1024x256xf32> to vector<1024x128xf32>
    %reduce_min3A_311 = arith.constant dense<0x7F800000> : vector<1024xf32>
    %reduce_min3A_312 = vector.multi_reduction <minimumf>, %slice3A_310, %reduce_min3A_311 [1] : vector<1024x128xf32> to vector<1024xf32>
    %broadcast_in_dim3A_313 = vector.shape_cast %reduce_min3A_312 : vector<1024xf32> to vector<1024x1xf32>
    %concatenate3A = tpu.concatenate %broadcast_in_dim3A_43, %broadcast_in_dim3A_47, %broadcast_in_dim3A_81, %broadcast_in_dim3A_85, %broadcast_in_dim3A_119, %broadcast_in_dim3A_123, %broadcast_in_dim3A_157, %broadcast_in_dim3A_161, %broadcast_in_dim3A_195, %broadcast_in_dim3A_199, %broadcast_in_dim3A_233, %broadcast_in_dim3A_237, %broadcast_in_dim3A_271, %broadcast_in_dim3A_275, %broadcast_in_dim3A_309, %broadcast_in_dim3A_313 in 1 : vector<1024x1xf32>, vector<1024x1xf32>, vector<1024x1xf32>, vector<1024x1xf32>, vector<1024x1xf32>, vector<1024x1xf32>, vector<1024x1xf32>, vector<1024x1xf32>, vector<1024x1xf32>, vector<1024x1xf32>, vector<1024x1xf32>, vector<1024x1xf32>, vector<1024x1xf32>, vector<1024x1xf32>, vector<1024x1xf32>, vector<1024x1xf32> -> vector<1024x16xf32>
    %swap3A_314 = arith.constant 0 : index
    %swap3A_315 = arith.constant 0 : index
    %swap3A_316 = arith.constant 0 : index
    %swap3A_317 = vector.load %arg5[%swap3A_314, %swap3A_315, %swap3A_316] : memref<1x1024x16xf32, #tpu.memory_space<vmem>>, vector<1x1024x16xf32>
    %swap3A_318 = vector.shape_cast %swap3A_317 : vector<1x1024x16xf32> to vector<1024x16xf32>
    %swap3A_319 = vector.shape_cast %concatenate3A : vector<1024x16xf32> to vector<1x1024x16xf32>
    tpu.vector_store %arg5[%swap3A_314, %swap3A_315, %swap3A_316], %swap3A_319 {strides = array<i32>} : memref<1x1024x16xf32, #tpu.memory_space<vmem>>, vector<1x1024x16xf32>,
    return
  }
  func.func @transform_0(%arg0: i32, %arg1: i32) -> (i32, i32) {
    %c0_i32 = arith.constant 0 : i32
    %c0_i32_0 = arith.constant 0 : i32
    return %arg0, %c0_i32 : i32, i32
  }
  func.func @transform_1(%arg0: i32, %arg1: i32) -> (i32, i32) {
    %c0_i32 = arith.constant 0 : i32
    %c0_i32_0 = arith.constant 0 : i32
    return %arg1, %c0_i32 : i32, i32
  }
  func.func @transform_2(%arg0: i32, %arg1: i32) -> (i32, i32, i32, i32) {
    %c0_i32 = arith.constant 0 : i32
    %c0_i32_0 = arith.constant 0 : i32
    %c0_i32_1 = arith.constant 0 : i32
    return %arg1, %c0_i32, %arg0, %c0_i32_0 : i32, i32, i32, i32
  }
  func.func @transform_3(%arg0: i32, %arg1: i32) -> (i32, i32, i32) {
    %c0_i32 = arith.constant 0 : i32
    %c0_i32_0 = arith.constant 0 : i32
    return %arg1, %arg0, %c0_i32 : i32, i32, i32
  }
}

module attributes {stable_mosaic.version = 14 : i64} {
  func.func @_group_topk_body(%arg0: i32, %arg1: memref<512x784xf32, #tpu.memory_space<vmem>>, %arg2: memref<512x16xi32, #tpu.memory_space<vmem>>, %arg3: memref<512x16xi32, #tpu.memory_space<vmem>>) attributes {dimension_semantics = [#tpu.dimension_semantics<arbitrary>], iteration_bounds = array<i64: 8>, scalar_prefetch = 0 : i64, scratch_operands = 0 : i64, tpu.core_type = #tpu.core_type<tc>, window_params = [{transform_indices = @transform_0, window_bounds = array<i64: 512, 784>}, {transform_indices = @transform_1, window_bounds = array<i64: 512, 16>}, {transform_indices = @transform_2, window_bounds = array<i64: 512, 16>}]} {
    %get3A = arith.constant 0 : index
    %get3A_0 = arith.constant 0 : index
    %get3A_1 = vector.load %arg1[%get3A, %get3A_0] : memref<512x784xf32, #tpu.memory_space<vmem>>, vector<512x784xf32>
    %iota3A = tpu.iota {dimensions = array<i32: 1>} : vector<512x784xi32>
    %convert_element_type3A = arith.sitofp %iota3A : vector<512x784xi32> to vector<512x784xf32>
    %reduce_min3A = arith.constant dense<0x7F800000> : vector<512xf32>
    %reduce_min3A_2 = vector.multi_reduction <minimumf>, %get3A_1, %reduce_min3A [1] : vector<512x784xf32> to vector<512xf32>
    %broadcast_in_dim3A = vector.shape_cast %reduce_min3A_2 : vector<512xf32> to vector<512x1xf32>
    %le3A = vector.broadcast %broadcast_in_dim3A : vector<512x1xf32> to vector<512x784xf32>
    %le3A_3 = arith.cmpf ole, %get3A_1, %le3A : vector<512x784xf32>
    %jit3A = arith.constant 1.000000e+09 : f32
    %broadcast_in_dim3A_4 = vector.broadcast %jit3A : f32 to vector<512x784xf32>
    %select_n3A = arith.select %le3A_3, %convert_element_type3A, %broadcast_in_dim3A_4 : vector<512x784xi1>, vector<512x784xf32>
    %reduce_min3A_5 = arith.constant dense<0x7F800000> : vector<512xf32>
    %reduce_min3A_6 = vector.multi_reduction <minimumf>, %select_n3A, %reduce_min3A_5 [1] : vector<512x784xf32> to vector<512xf32>
    %broadcast_in_dim3A_7 = vector.shape_cast %reduce_min3A_6 : vector<512xf32> to vector<512x1xf32>
    %eq3A = vector.broadcast %broadcast_in_dim3A_7 : vector<512x1xf32> to vector<512x784xf32>
    %eq3A_8 = arith.cmpf oeq, %convert_element_type3A, %eq3A : vector<512x784xf32>
    %jit3A_9 = arith.constant 2.000000e+30 : f32
    %broadcast_in_dim3A_10 = vector.broadcast %jit3A_9 : f32 to vector<512x784xf32>
    %select_n3A_11 = arith.select %eq3A_8, %broadcast_in_dim3A_10, %get3A_1 : vector<512x784xi1>, vector<512x784xf32>
    %reduce_min3A_12 = arith.constant dense<0x7F800000> : vector<512xf32>
    %reduce_min3A_13 = vector.multi_reduction <minimumf>, %select_n3A_11, %reduce_min3A_12 [1] : vector<512x784xf32> to vector<512xf32>
    %broadcast_in_dim3A_14 = vector.shape_cast %reduce_min3A_13 : vector<512xf32> to vector<512x1xf32>
    %le3A_15 = vector.broadcast %broadcast_in_dim3A_14 : vector<512x1xf32> to vector<512x784xf32>
    %le3A_16 = arith.cmpf ole, %select_n3A_11, %le3A_15 : vector<512x784xf32>
    %jit3A_17 = arith.constant 1.000000e+09 : f32
    %broadcast_in_dim3A_18 = vector.broadcast %jit3A_17 : f32 to vector<512x784xf32>
    %select_n3A_19 = arith.select %le3A_16, %convert_element_type3A, %broadcast_in_dim3A_18 : vector<512x784xi1>, vector<512x784xf32>
    %reduce_min3A_20 = arith.constant dense<0x7F800000> : vector<512xf32>
    %reduce_min3A_21 = vector.multi_reduction <minimumf>, %select_n3A_19, %reduce_min3A_20 [1] : vector<512x784xf32> to vector<512xf32>
    %broadcast_in_dim3A_22 = vector.shape_cast %reduce_min3A_21 : vector<512xf32> to vector<512x1xf32>
    %eq3A_23 = vector.broadcast %broadcast_in_dim3A_22 : vector<512x1xf32> to vector<512x784xf32>
    %eq3A_24 = arith.cmpf oeq, %convert_element_type3A, %eq3A_23 : vector<512x784xf32>
    %jit3A_25 = arith.constant 2.000000e+30 : f32
    %broadcast_in_dim3A_26 = vector.broadcast %jit3A_25 : f32 to vector<512x784xf32>
    %select_n3A_27 = arith.select %eq3A_24, %broadcast_in_dim3A_26, %select_n3A_11 : vector<512x784xi1>, vector<512x784xf32>
    %reduce_min3A_28 = arith.constant dense<0x7F800000> : vector<512xf32>
    %reduce_min3A_29 = vector.multi_reduction <minimumf>, %select_n3A_27, %reduce_min3A_28 [1] : vector<512x784xf32> to vector<512xf32>
    %broadcast_in_dim3A_30 = vector.shape_cast %reduce_min3A_29 : vector<512xf32> to vector<512x1xf32>
    %le3A_31 = vector.broadcast %broadcast_in_dim3A_30 : vector<512x1xf32> to vector<512x784xf32>
    %le3A_32 = arith.cmpf ole, %select_n3A_27, %le3A_31 : vector<512x784xf32>
    %jit3A_33 = arith.constant 1.000000e+09 : f32
    %broadcast_in_dim3A_34 = vector.broadcast %jit3A_33 : f32 to vector<512x784xf32>
    %select_n3A_35 = arith.select %le3A_32, %convert_element_type3A, %broadcast_in_dim3A_34 : vector<512x784xi1>, vector<512x784xf32>
    %reduce_min3A_36 = arith.constant dense<0x7F800000> : vector<512xf32>
    %reduce_min3A_37 = vector.multi_reduction <minimumf>, %select_n3A_35, %reduce_min3A_36 [1] : vector<512x784xf32> to vector<512xf32>
    %broadcast_in_dim3A_38 = vector.shape_cast %reduce_min3A_37 : vector<512xf32> to vector<512x1xf32>
    %eq3A_39 = vector.broadcast %broadcast_in_dim3A_38 : vector<512x1xf32> to vector<512x784xf32>
    %eq3A_40 = arith.cmpf oeq, %convert_element_type3A, %eq3A_39 : vector<512x784xf32>
    %jit3A_41 = arith.constant 2.000000e+30 : f32
    %broadcast_in_dim3A_42 = vector.broadcast %jit3A_41 : f32 to vector<512x784xf32>
    %select_n3A_43 = arith.select %eq3A_40, %broadcast_in_dim3A_42, %select_n3A_27 : vector<512x784xi1>, vector<512x784xf32>
    %reduce_min3A_44 = arith.constant dense<0x7F800000> : vector<512xf32>
    %reduce_min3A_45 = vector.multi_reduction <minimumf>, %select_n3A_43, %reduce_min3A_44 [1] : vector<512x784xf32> to vector<512xf32>
    %broadcast_in_dim3A_46 = vector.shape_cast %reduce_min3A_45 : vector<512xf32> to vector<512x1xf32>
    %le3A_47 = vector.broadcast %broadcast_in_dim3A_46 : vector<512x1xf32> to vector<512x784xf32>
    %le3A_48 = arith.cmpf ole, %select_n3A_43, %le3A_47 : vector<512x784xf32>
    %jit3A_49 = arith.constant 1.000000e+09 : f32
    %broadcast_in_dim3A_50 = vector.broadcast %jit3A_49 : f32 to vector<512x784xf32>
    %select_n3A_51 = arith.select %le3A_48, %convert_element_type3A, %broadcast_in_dim3A_50 : vector<512x784xi1>, vector<512x784xf32>
    %reduce_min3A_52 = arith.constant dense<0x7F800000> : vector<512xf32>
    %reduce_min3A_53 = vector.multi_reduction <minimumf>, %select_n3A_51, %reduce_min3A_52 [1] : vector<512x784xf32> to vector<512xf32>
    %broadcast_in_dim3A_54 = vector.shape_cast %reduce_min3A_53 : vector<512xf32> to vector<512x1xf32>
    %eq3A_55 = vector.broadcast %broadcast_in_dim3A_54 : vector<512x1xf32> to vector<512x784xf32>
    %eq3A_56 = arith.cmpf oeq, %convert_element_type3A, %eq3A_55 : vector<512x784xf32>
    %jit3A_57 = arith.constant 2.000000e+30 : f32
    %broadcast_in_dim3A_58 = vector.broadcast %jit3A_57 : f32 to vector<512x784xf32>
    %select_n3A_59 = arith.select %eq3A_56, %broadcast_in_dim3A_58, %select_n3A_43 : vector<512x784xi1>, vector<512x784xf32>
    %reduce_min3A_60 = arith.constant dense<0x7F800000> : vector<512xf32>
    %reduce_min3A_61 = vector.multi_reduction <minimumf>, %select_n3A_59, %reduce_min3A_60 [1] : vector<512x784xf32> to vector<512xf32>
    %broadcast_in_dim3A_62 = vector.shape_cast %reduce_min3A_61 : vector<512xf32> to vector<512x1xf32>
    %le3A_63 = vector.broadcast %broadcast_in_dim3A_62 : vector<512x1xf32> to vector<512x784xf32>
    %le3A_64 = arith.cmpf ole, %select_n3A_59, %le3A_63 : vector<512x784xf32>
    %jit3A_65 = arith.constant 1.000000e+09 : f32
    %broadcast_in_dim3A_66 = vector.broadcast %jit3A_65 : f32 to vector<512x784xf32>
    %select_n3A_67 = arith.select %le3A_64, %convert_element_type3A, %broadcast_in_dim3A_66 : vector<512x784xi1>, vector<512x784xf32>
    %reduce_min3A_68 = arith.constant dense<0x7F800000> : vector<512xf32>
    %reduce_min3A_69 = vector.multi_reduction <minimumf>, %select_n3A_67, %reduce_min3A_68 [1] : vector<512x784xf32> to vector<512xf32>
    %broadcast_in_dim3A_70 = vector.shape_cast %reduce_min3A_69 : vector<512xf32> to vector<512x1xf32>
    %eq3A_71 = vector.broadcast %broadcast_in_dim3A_70 : vector<512x1xf32> to vector<512x784xf32>
    %eq3A_72 = arith.cmpf oeq, %convert_element_type3A, %eq3A_71 : vector<512x784xf32>
    %jit3A_73 = arith.constant 2.000000e+30 : f32
    %broadcast_in_dim3A_74 = vector.broadcast %jit3A_73 : f32 to vector<512x784xf32>
    %select_n3A_75 = arith.select %eq3A_72, %broadcast_in_dim3A_74, %select_n3A_59 : vector<512x784xi1>, vector<512x784xf32>
    %reduce_min3A_76 = arith.constant dense<0x7F800000> : vector<512xf32>
    %reduce_min3A_77 = vector.multi_reduction <minimumf>, %select_n3A_75, %reduce_min3A_76 [1] : vector<512x784xf32> to vector<512xf32>
    %broadcast_in_dim3A_78 = vector.shape_cast %reduce_min3A_77 : vector<512xf32> to vector<512x1xf32>
    %le3A_79 = vector.broadcast %broadcast_in_dim3A_78 : vector<512x1xf32> to vector<512x784xf32>
    %le3A_80 = arith.cmpf ole, %select_n3A_75, %le3A_79 : vector<512x784xf32>
    %jit3A_81 = arith.constant 1.000000e+09 : f32
    %broadcast_in_dim3A_82 = vector.broadcast %jit3A_81 : f32 to vector<512x784xf32>
    %select_n3A_83 = arith.select %le3A_80, %convert_element_type3A, %broadcast_in_dim3A_82 : vector<512x784xi1>, vector<512x784xf32>
    %reduce_min3A_84 = arith.constant dense<0x7F800000> : vector<512xf32>
    %reduce_min3A_85 = vector.multi_reduction <minimumf>, %select_n3A_83, %reduce_min3A_84 [1] : vector<512x784xf32> to vector<512xf32>
    %broadcast_in_dim3A_86 = vector.shape_cast %reduce_min3A_85 : vector<512xf32> to vector<512x1xf32>
    %eq3A_87 = vector.broadcast %broadcast_in_dim3A_86 : vector<512x1xf32> to vector<512x784xf32>
    %eq3A_88 = arith.cmpf oeq, %convert_element_type3A, %eq3A_87 : vector<512x784xf32>
    %jit3A_89 = arith.constant 2.000000e+30 : f32
    %broadcast_in_dim3A_90 = vector.broadcast %jit3A_89 : f32 to vector<512x784xf32>
    %select_n3A_91 = arith.select %eq3A_88, %broadcast_in_dim3A_90, %select_n3A_75 : vector<512x784xi1>, vector<512x784xf32>
    %reduce_min3A_92 = arith.constant dense<0x7F800000> : vector<512xf32>
    %reduce_min3A_93 = vector.multi_reduction <minimumf>, %select_n3A_91, %reduce_min3A_92 [1] : vector<512x784xf32> to vector<512xf32>
    %broadcast_in_dim3A_94 = vector.shape_cast %reduce_min3A_93 : vector<512xf32> to vector<512x1xf32>
    %le3A_95 = vector.broadcast %broadcast_in_dim3A_94 : vector<512x1xf32> to vector<512x784xf32>
    %le3A_96 = arith.cmpf ole, %select_n3A_91, %le3A_95 : vector<512x784xf32>
    %jit3A_97 = arith.constant 1.000000e+09 : f32
    %broadcast_in_dim3A_98 = vector.broadcast %jit3A_97 : f32 to vector<512x784xf32>
    %select_n3A_99 = arith.select %le3A_96, %convert_element_type3A, %broadcast_in_dim3A_98 : vector<512x784xi1>, vector<512x784xf32>
    %reduce_min3A_100 = arith.constant dense<0x7F800000> : vector<512xf32>
    %reduce_min3A_101 = vector.multi_reduction <minimumf>, %select_n3A_99, %reduce_min3A_100 [1] : vector<512x784xf32> to vector<512xf32>
    %broadcast_in_dim3A_102 = vector.shape_cast %reduce_min3A_101 : vector<512xf32> to vector<512x1xf32>
    %eq3A_103 = vector.broadcast %broadcast_in_dim3A_102 : vector<512x1xf32> to vector<512x784xf32>
    %eq3A_104 = arith.cmpf oeq, %convert_element_type3A, %eq3A_103 : vector<512x784xf32>
    %jit3A_105 = arith.constant 2.000000e+30 : f32
    %broadcast_in_dim3A_106 = vector.broadcast %jit3A_105 : f32 to vector<512x784xf32>
    %select_n3A_107 = arith.select %eq3A_104, %broadcast_in_dim3A_106, %select_n3A_91 : vector<512x784xi1>, vector<512x784xf32>
    %reduce_min3A_108 = arith.constant dense<0x7F800000> : vector<512xf32>
    %reduce_min3A_109 = vector.multi_reduction <minimumf>, %select_n3A_107, %reduce_min3A_108 [1] : vector<512x784xf32> to vector<512xf32>
    %broadcast_in_dim3A_110 = vector.shape_cast %reduce_min3A_109 : vector<512xf32> to vector<512x1xf32>
    %le3A_111 = vector.broadcast %broadcast_in_dim3A_110 : vector<512x1xf32> to vector<512x784xf32>
    %le3A_112 = arith.cmpf ole, %select_n3A_107, %le3A_111 : vector<512x784xf32>
    %jit3A_113 = arith.constant 1.000000e+09 : f32
    %broadcast_in_dim3A_114 = vector.broadcast %jit3A_113 : f32 to vector<512x784xf32>
    %select_n3A_115 = arith.select %le3A_112, %convert_element_type3A, %broadcast_in_dim3A_114 : vector<512x784xi1>, vector<512x784xf32>
    %reduce_min3A_116 = arith.constant dense<0x7F800000> : vector<512xf32>
    %reduce_min3A_117 = vector.multi_reduction <minimumf>, %select_n3A_115, %reduce_min3A_116 [1] : vector<512x784xf32> to vector<512xf32>
    %broadcast_in_dim3A_118 = vector.shape_cast %reduce_min3A_117 : vector<512xf32> to vector<512x1xf32>
    %eq3A_119 = vector.broadcast %broadcast_in_dim3A_118 : vector<512x1xf32> to vector<512x784xf32>
    %eq3A_120 = arith.cmpf oeq, %convert_element_type3A, %eq3A_119 : vector<512x784xf32>
    %jit3A_121 = arith.constant 2.000000e+30 : f32
    %broadcast_in_dim3A_122 = vector.broadcast %jit3A_121 : f32 to vector<512x784xf32>
    %select_n3A_123 = arith.select %eq3A_120, %broadcast_in_dim3A_122, %select_n3A_107 : vector<512x784xi1>, vector<512x784xf32>
    %reduce_min3A_124 = arith.constant dense<0x7F800000> : vector<512xf32>
    %reduce_min3A_125 = vector.multi_reduction <minimumf>, %select_n3A_123, %reduce_min3A_124 [1] : vector<512x784xf32> to vector<512xf32>
    %broadcast_in_dim3A_126 = vector.shape_cast %reduce_min3A_125 : vector<512xf32> to vector<512x1xf32>
    %le3A_127 = vector.broadcast %broadcast_in_dim3A_126 : vector<512x1xf32> to vector<512x784xf32>
    %le3A_128 = arith.cmpf ole, %select_n3A_123, %le3A_127 : vector<512x784xf32>
    %jit3A_129 = arith.constant 1.000000e+09 : f32
    %broadcast_in_dim3A_130 = vector.broadcast %jit3A_129 : f32 to vector<512x784xf32>
    %select_n3A_131 = arith.select %le3A_128, %convert_element_type3A, %broadcast_in_dim3A_130 : vector<512x784xi1>, vector<512x784xf32>
    %reduce_min3A_132 = arith.constant dense<0x7F800000> : vector<512xf32>
    %reduce_min3A_133 = vector.multi_reduction <minimumf>, %select_n3A_131, %reduce_min3A_132 [1] : vector<512x784xf32> to vector<512xf32>
    %broadcast_in_dim3A_134 = vector.shape_cast %reduce_min3A_133 : vector<512xf32> to vector<512x1xf32>
    %eq3A_135 = vector.broadcast %broadcast_in_dim3A_134 : vector<512x1xf32> to vector<512x784xf32>
    %eq3A_136 = arith.cmpf oeq, %convert_element_type3A, %eq3A_135 : vector<512x784xf32>
    %jit3A_137 = arith.constant 2.000000e+30 : f32
    %broadcast_in_dim3A_138 = vector.broadcast %jit3A_137 : f32 to vector<512x784xf32>
    %select_n3A_139 = arith.select %eq3A_136, %broadcast_in_dim3A_138, %select_n3A_123 : vector<512x784xi1>, vector<512x784xf32>
    %reduce_min3A_140 = arith.constant dense<0x7F800000> : vector<512xf32>
    %reduce_min3A_141 = vector.multi_reduction <minimumf>, %select_n3A_139, %reduce_min3A_140 [1] : vector<512x784xf32> to vector<512xf32>
    %broadcast_in_dim3A_142 = vector.shape_cast %reduce_min3A_141 : vector<512xf32> to vector<512x1xf32>
    %le3A_143 = vector.broadcast %broadcast_in_dim3A_142 : vector<512x1xf32> to vector<512x784xf32>
    %le3A_144 = arith.cmpf ole, %select_n3A_139, %le3A_143 : vector<512x784xf32>
    %jit3A_145 = arith.constant 1.000000e+09 : f32
    %broadcast_in_dim3A_146 = vector.broadcast %jit3A_145 : f32 to vector<512x784xf32>
    %select_n3A_147 = arith.select %le3A_144, %convert_element_type3A, %broadcast_in_dim3A_146 : vector<512x784xi1>, vector<512x784xf32>
    %reduce_min3A_148 = arith.constant dense<0x7F800000> : vector<512xf32>
    %reduce_min3A_149 = vector.multi_reduction <minimumf>, %select_n3A_147, %reduce_min3A_148 [1] : vector<512x784xf32> to vector<512xf32>
    %broadcast_in_dim3A_150 = vector.shape_cast %reduce_min3A_149 : vector<512xf32> to vector<512x1xf32>
    %eq3A_151 = vector.broadcast %broadcast_in_dim3A_150 : vector<512x1xf32> to vector<512x784xf32>
    %eq3A_152 = arith.cmpf oeq, %convert_element_type3A, %eq3A_151 : vector<512x784xf32>
    %jit3A_153 = arith.constant 2.000000e+30 : f32
    %broadcast_in_dim3A_154 = vector.broadcast %jit3A_153 : f32 to vector<512x784xf32>
    %select_n3A_155 = arith.select %eq3A_152, %broadcast_in_dim3A_154, %select_n3A_139 : vector<512x784xi1>, vector<512x784xf32>
    %reduce_min3A_156 = arith.constant dense<0x7F800000> : vector<512xf32>
    %reduce_min3A_157 = vector.multi_reduction <minimumf>, %select_n3A_155, %reduce_min3A_156 [1] : vector<512x784xf32> to vector<512xf32>
    %broadcast_in_dim3A_158 = vector.shape_cast %reduce_min3A_157 : vector<512xf32> to vector<512x1xf32>
    %le3A_159 = vector.broadcast %broadcast_in_dim3A_158 : vector<512x1xf32> to vector<512x784xf32>
    %le3A_160 = arith.cmpf ole, %select_n3A_155, %le3A_159 : vector<512x784xf32>
    %jit3A_161 = arith.constant 1.000000e+09 : f32
    %broadcast_in_dim3A_162 = vector.broadcast %jit3A_161 : f32 to vector<512x784xf32>
    %select_n3A_163 = arith.select %le3A_160, %convert_element_type3A, %broadcast_in_dim3A_162 : vector<512x784xi1>, vector<512x784xf32>
    %reduce_min3A_164 = arith.constant dense<0x7F800000> : vector<512xf32>
    %reduce_min3A_165 = vector.multi_reduction <minimumf>, %select_n3A_163, %reduce_min3A_164 [1] : vector<512x784xf32> to vector<512xf32>
    %broadcast_in_dim3A_166 = vector.shape_cast %reduce_min3A_165 : vector<512xf32> to vector<512x1xf32>
    %eq3A_167 = vector.broadcast %broadcast_in_dim3A_166 : vector<512x1xf32> to vector<512x784xf32>
    %eq3A_168 = arith.cmpf oeq, %convert_element_type3A, %eq3A_167 : vector<512x784xf32>
    %jit3A_169 = arith.constant 2.000000e+30 : f32
    %broadcast_in_dim3A_170 = vector.broadcast %jit3A_169 : f32 to vector<512x784xf32>
    %select_n3A_171 = arith.select %eq3A_168, %broadcast_in_dim3A_170, %select_n3A_155 : vector<512x784xi1>, vector<512x784xf32>
    %reduce_min3A_172 = arith.constant dense<0x7F800000> : vector<512xf32>
    %reduce_min3A_173 = vector.multi_reduction <minimumf>, %select_n3A_171, %reduce_min3A_172 [1] : vector<512x784xf32> to vector<512xf32>
    %broadcast_in_dim3A_174 = vector.shape_cast %reduce_min3A_173 : vector<512xf32> to vector<512x1xf32>
    %le3A_175 = vector.broadcast %broadcast_in_dim3A_174 : vector<512x1xf32> to vector<512x784xf32>
    %le3A_176 = arith.cmpf ole, %select_n3A_171, %le3A_175 : vector<512x784xf32>
    %jit3A_177 = arith.constant 1.000000e+09 : f32
    %broadcast_in_dim3A_178 = vector.broadcast %jit3A_177 : f32 to vector<512x784xf32>
    %select_n3A_179 = arith.select %le3A_176, %convert_element_type3A, %broadcast_in_dim3A_178 : vector<512x784xi1>, vector<512x784xf32>
    %reduce_min3A_180 = arith.constant dense<0x7F800000> : vector<512xf32>
    %reduce_min3A_181 = vector.multi_reduction <minimumf>, %select_n3A_179, %reduce_min3A_180 [1] : vector<512x784xf32> to vector<512xf32>
    %broadcast_in_dim3A_182 = vector.shape_cast %reduce_min3A_181 : vector<512xf32> to vector<512x1xf32>
    %eq3A_183 = vector.broadcast %broadcast_in_dim3A_182 : vector<512x1xf32> to vector<512x784xf32>
    %eq3A_184 = arith.cmpf oeq, %convert_element_type3A, %eq3A_183 : vector<512x784xf32>
    %jit3A_185 = arith.constant 2.000000e+30 : f32
    %broadcast_in_dim3A_186 = vector.broadcast %jit3A_185 : f32 to vector<512x784xf32>
    %select_n3A_187 = arith.select %eq3A_184, %broadcast_in_dim3A_186, %select_n3A_171 : vector<512x784xi1>, vector<512x784xf32>
    %reduce_min3A_188 = arith.constant dense<0x7F800000> : vector<512xf32>
    %reduce_min3A_189 = vector.multi_reduction <minimumf>, %select_n3A_187, %reduce_min3A_188 [1] : vector<512x784xf32> to vector<512xf32>
    %broadcast_in_dim3A_190 = vector.shape_cast %reduce_min3A_189 : vector<512xf32> to vector<512x1xf32>
    %le3A_191 = vector.broadcast %broadcast_in_dim3A_190 : vector<512x1xf32> to vector<512x784xf32>
    %le3A_192 = arith.cmpf ole, %select_n3A_187, %le3A_191 : vector<512x784xf32>
    %jit3A_193 = arith.constant 1.000000e+09 : f32
    %broadcast_in_dim3A_194 = vector.broadcast %jit3A_193 : f32 to vector<512x784xf32>
    %select_n3A_195 = arith.select %le3A_192, %convert_element_type3A, %broadcast_in_dim3A_194 : vector<512x784xi1>, vector<512x784xf32>
    %reduce_min3A_196 = arith.constant dense<0x7F800000> : vector<512xf32>
    %reduce_min3A_197 = vector.multi_reduction <minimumf>, %select_n3A_195, %reduce_min3A_196 [1] : vector<512x784xf32> to vector<512xf32>
    %broadcast_in_dim3A_198 = vector.shape_cast %reduce_min3A_197 : vector<512xf32> to vector<512x1xf32>
    %eq3A_199 = vector.broadcast %broadcast_in_dim3A_198 : vector<512x1xf32> to vector<512x784xf32>
    %eq3A_200 = arith.cmpf oeq, %convert_element_type3A, %eq3A_199 : vector<512x784xf32>
    %jit3A_201 = arith.constant 2.000000e+30 : f32
    %broadcast_in_dim3A_202 = vector.broadcast %jit3A_201 : f32 to vector<512x784xf32>
    %select_n3A_203 = arith.select %eq3A_200, %broadcast_in_dim3A_202, %select_n3A_187 : vector<512x784xi1>, vector<512x784xf32>
    %reduce_min3A_204 = arith.constant dense<0x7F800000> : vector<512xf32>
    %reduce_min3A_205 = vector.multi_reduction <minimumf>, %select_n3A_203, %reduce_min3A_204 [1] : vector<512x784xf32> to vector<512xf32>
    %broadcast_in_dim3A_206 = vector.shape_cast %reduce_min3A_205 : vector<512xf32> to vector<512x1xf32>
    %le3A_207 = vector.broadcast %broadcast_in_dim3A_206 : vector<512x1xf32> to vector<512x784xf32>
    %le3A_208 = arith.cmpf ole, %select_n3A_203, %le3A_207 : vector<512x784xf32>
    %jit3A_209 = arith.constant 1.000000e+09 : f32
    %broadcast_in_dim3A_210 = vector.broadcast %jit3A_209 : f32 to vector<512x784xf32>
    %select_n3A_211 = arith.select %le3A_208, %convert_element_type3A, %broadcast_in_dim3A_210 : vector<512x784xi1>, vector<512x784xf32>
    %reduce_min3A_212 = arith.constant dense<0x7F800000> : vector<512xf32>
    %reduce_min3A_213 = vector.multi_reduction <minimumf>, %select_n3A_211, %reduce_min3A_212 [1] : vector<512x784xf32> to vector<512xf32>
    %broadcast_in_dim3A_214 = vector.shape_cast %reduce_min3A_213 : vector<512xf32> to vector<512x1xf32>
    %eq3A_215 = vector.broadcast %broadcast_in_dim3A_214 : vector<512x1xf32> to vector<512x784xf32>
    %eq3A_216 = arith.cmpf oeq, %convert_element_type3A, %eq3A_215 : vector<512x784xf32>
    %jit3A_217 = arith.constant 2.000000e+30 : f32
    %broadcast_in_dim3A_218 = vector.broadcast %jit3A_217 : f32 to vector<512x784xf32>
    %select_n3A_219 = arith.select %eq3A_216, %broadcast_in_dim3A_218, %select_n3A_203 : vector<512x784xi1>, vector<512x784xf32>
    %reduce_min3A_220 = arith.constant dense<0x7F800000> : vector<512xf32>
    %reduce_min3A_221 = vector.multi_reduction <minimumf>, %select_n3A_219, %reduce_min3A_220 [1] : vector<512x784xf32> to vector<512xf32>
    %broadcast_in_dim3A_222 = vector.shape_cast %reduce_min3A_221 : vector<512xf32> to vector<512x1xf32>
    %le3A_223 = vector.broadcast %broadcast_in_dim3A_222 : vector<512x1xf32> to vector<512x784xf32>
    %le3A_224 = arith.cmpf ole, %select_n3A_219, %le3A_223 : vector<512x784xf32>
    %jit3A_225 = arith.constant 1.000000e+09 : f32
    %broadcast_in_dim3A_226 = vector.broadcast %jit3A_225 : f32 to vector<512x784xf32>
    %select_n3A_227 = arith.select %le3A_224, %convert_element_type3A, %broadcast_in_dim3A_226 : vector<512x784xi1>, vector<512x784xf32>
    %reduce_min3A_228 = arith.constant dense<0x7F800000> : vector<512xf32>
    %reduce_min3A_229 = vector.multi_reduction <minimumf>, %select_n3A_227, %reduce_min3A_228 [1] : vector<512x784xf32> to vector<512xf32>
    %broadcast_in_dim3A_230 = vector.shape_cast %reduce_min3A_229 : vector<512xf32> to vector<512x1xf32>
    %eq3A_231 = vector.broadcast %broadcast_in_dim3A_230 : vector<512x1xf32> to vector<512x784xf32>
    %eq3A_232 = arith.cmpf oeq, %convert_element_type3A, %eq3A_231 : vector<512x784xf32>
    %jit3A_233 = arith.constant 2.000000e+30 : f32
    %broadcast_in_dim3A_234 = vector.broadcast %jit3A_233 : f32 to vector<512x784xf32>
    %select_n3A_235 = arith.select %eq3A_232, %broadcast_in_dim3A_234, %select_n3A_219 : vector<512x784xi1>, vector<512x784xf32>
    %reduce_min3A_236 = arith.constant dense<0x7F800000> : vector<512xf32>
    %reduce_min3A_237 = vector.multi_reduction <minimumf>, %select_n3A_235, %reduce_min3A_236 [1] : vector<512x784xf32> to vector<512xf32>
    %broadcast_in_dim3A_238 = vector.shape_cast %reduce_min3A_237 : vector<512xf32> to vector<512x1xf32>
    %le3A_239 = vector.broadcast %broadcast_in_dim3A_238 : vector<512x1xf32> to vector<512x784xf32>
    %le3A_240 = arith.cmpf ole, %select_n3A_235, %le3A_239 : vector<512x784xf32>
    %jit3A_241 = arith.constant 1.000000e+09 : f32
    %broadcast_in_dim3A_242 = vector.broadcast %jit3A_241 : f32 to vector<512x784xf32>
    %select_n3A_243 = arith.select %le3A_240, %convert_element_type3A, %broadcast_in_dim3A_242 : vector<512x784xi1>, vector<512x784xf32>
    %reduce_min3A_244 = arith.constant dense<0x7F800000> : vector<512xf32>
    %reduce_min3A_245 = vector.multi_reduction <minimumf>, %select_n3A_243, %reduce_min3A_244 [1] : vector<512x784xf32> to vector<512xf32>
    %broadcast_in_dim3A_246 = vector.shape_cast %reduce_min3A_245 : vector<512xf32> to vector<512x1xf32>
    %concatenate3A = tpu.concatenate %broadcast_in_dim3A_7, %broadcast_in_dim3A_22, %broadcast_in_dim3A_38, %broadcast_in_dim3A_54, %broadcast_in_dim3A_70, %broadcast_in_dim3A_86, %broadcast_in_dim3A_102, %broadcast_in_dim3A_118, %broadcast_in_dim3A_134, %broadcast_in_dim3A_150, %broadcast_in_dim3A_166, %broadcast_in_dim3A_182, %broadcast_in_dim3A_198, %broadcast_in_dim3A_214, %broadcast_in_dim3A_230, %broadcast_in_dim3A_246 in 1 : vector<512x1xf32>, vector<512x1xf32>, vector<512x1xf32>, vector<512x1xf32>, vector<512x1xf32>, vector<512x1xf32>, vector<512x1xf32>, vector<512x1xf32>, vector<512x1xf32>, vector<512x1xf32>, vector<512x1xf32>, vector<512x1xf32>, vector<512x1xf32>, vector<512x1xf32>, vector<512x1xf32>, vector<512x1xf32> -> vector<512x16xf32>
    %convert_element_type3A_247 = arith.fptosi %concatenate3A : vector<512x16xf32> to vector<512x16xi32>
    %mul3A = arith.constant 512 : i32
    %mul3A_248 = arith.muli %arg0, %mul3A : i32
    %iota3A_249 = tpu.iota {dimensions = array<i32: 0>} : vector<512x16xi32>
    %add3A = vector.broadcast %mul3A_248 : i32 to vector<512x16xi32>
    %add3A_250 = arith.addi %add3A, %iota3A_249 : vector<512x16xi32>
    %swap3A = arith.constant 0 : index
    %swap3A_251 = arith.constant 0 : index
    %swap3A_252 = vector.load %arg2[%swap3A, %swap3A_251] : memref<512x16xi32, #tpu.memory_space<vmem>>, vector<512x16xi32>
    tpu.vector_store %arg2[%swap3A, %swap3A_251], %convert_element_type3A_247 {strides = array<i32>} : memref<512x16xi32, #tpu.memory_space<vmem>>, vector<512x16xi32>,
    %mul3A_253 = arith.constant 4096 : i32
    %mul3A_254 = vector.broadcast %mul3A_253 : i32 to vector<512x16xi32>
    %mul3A_255 = arith.muli %convert_element_type3A_247, %mul3A_254 : vector<512x16xi32>
    %add3A_256 = arith.addi %mul3A_255, %add3A_250 : vector<512x16xi32>
    %swap3A_257 = arith.constant 0 : index
    %swap3A_258 = arith.constant 0 : index
    %swap3A_259 = vector.load %arg3[%swap3A_257, %swap3A_258] : memref<512x16xi32, #tpu.memory_space<vmem>>, vector<512x16xi32>
    tpu.vector_store %arg3[%swap3A_257, %swap3A_258], %add3A_256 {strides = array<i32>} : memref<512x16xi32, #tpu.memory_space<vmem>>, vector<512x16xi32>,
    return
  }
  func.func @transform_0(%arg0: i32) -> (i32, i32) {
    %c0_i32 = arith.constant 0 : i32
    %c0_i32_0 = arith.constant 0 : i32
    return %arg0, %c0_i32 : i32, i32
  }
  func.func @transform_1(%arg0: i32) -> (i32, i32) {
    %c0_i32 = arith.constant 0 : i32
    %c0_i32_0 = arith.constant 0 : i32
    return %arg0, %c0_i32 : i32, i32
  }
  func.func @transform_2(%arg0: i32) -> (i32, i32) {
    %c0_i32 = arith.constant 0 : i32
    %c0_i32_0 = arith.constant 0 : i32
    return %arg0, %c0_i32 : i32, i32
  }
}

module attributes {stable_mosaic.version = 14 : i64} {
  func.func @_final_body(%arg0: i32, %arg1: memref<512x2048xf32, #tpu.memory_space<vmem>>, %arg2: memref<512x16xi32, #tpu.memory_space<vmem>>, %arg3: memref<512x16xf32, #tpu.memory_space<vmem>>, %arg4: memref<512x16xi32, #tpu.memory_space<vmem>>) attributes {dimension_semantics = [#tpu.dimension_semantics<arbitrary>], iteration_bounds = array<i64: 8>, scalar_prefetch = 0 : i64, scratch_operands = 0 : i64, tpu.core_type = #tpu.core_type<tc>, window_params = [{transform_indices = @transform_0, window_bounds = array<i64: 512, 2048>}, {transform_indices = @transform_1, window_bounds = array<i64: 512, 16>}, {transform_indices = @transform_2, window_bounds = array<i64: 512, 16>}, {transform_indices = @transform_3, window_bounds = array<i64: 512, 16>}]} {
    %get3A = arith.constant 0 : index
    %get3A_0 = arith.constant 0 : index
    %get3A_1 = vector.load %arg1[%get3A, %get3A_0] : memref<512x2048xf32, #tpu.memory_space<vmem>>, vector<512x2048xf32>
    %get3A_2 = arith.constant 0 : index
    %get3A_3 = arith.constant 0 : index
    %get3A_4 = vector.load %arg2[%get3A_2, %get3A_3] : memref<512x16xi32, #tpu.memory_space<vmem>>, vector<512x16xi32>
    %iota3A = tpu.iota {dimensions = array<i32: 1>} : vector<512x128xi32>
    %slice3A = vector.extract_strided_slice %get3A_4 {offsets = [0, 0], sizes = [512, 1], strides = [1, 1]} : vector<512x16xi32> to vector<512x1xi32>
    %mul3A = arith.constant 128 : i32
    %mul3A_5 = vector.broadcast %mul3A : i32 to vector<512x1xi32>
    %mul3A_6 = arith.muli %slice3A, %mul3A_5 : vector<512x1xi32>
    %add3A = vector.broadcast %mul3A_6 : vector<512x1xi32> to vector<512x128xi32>
    %add3A_7 = arith.addi %add3A, %iota3A : vector<512x128xi32>
    %convert_element_type3A = arith.sitofp %add3A_7 : vector<512x128xi32> to vector<512x128xf32>
    %slice3A_8 = vector.extract_strided_slice %get3A_4 {offsets = [0, 1], sizes = [512, 1], strides = [1, 1]} : vector<512x16xi32> to vector<512x1xi32>
    %mul3A_9 = arith.constant 128 : i32
    %mul3A_10 = vector.broadcast %mul3A_9 : i32 to vector<512x1xi32>
    %mul3A_11 = arith.muli %slice3A_8, %mul3A_10 : vector<512x1xi32>
    %add3A_12 = vector.broadcast %mul3A_11 : vector<512x1xi32> to vector<512x128xi32>
    %add3A_13 = arith.addi %add3A_12, %iota3A : vector<512x128xi32>
    %convert_element_type3A_14 = arith.sitofp %add3A_13 : vector<512x128xi32> to vector<512x128xf32>
    %slice3A_15 = vector.extract_strided_slice %get3A_4 {offsets = [0, 2], sizes = [512, 1], strides = [1, 1]} : vector<512x16xi32> to vector<512x1xi32>
    %mul3A_16 = arith.constant 128 : i32
    %mul3A_17 = vector.broadcast %mul3A_16 : i32 to vector<512x1xi32>
    %mul3A_18 = arith.muli %slice3A_15, %mul3A_17 : vector<512x1xi32>
    %add3A_19 = vector.broadcast %mul3A_18 : vector<512x1xi32> to vector<512x128xi32>
    %add3A_20 = arith.addi %add3A_19, %iota3A : vector<512x128xi32>
    %convert_element_type3A_21 = arith.sitofp %add3A_20 : vector<512x128xi32> to vector<512x128xf32>
    %slice3A_22 = vector.extract_strided_slice %get3A_4 {offsets = [0, 3], sizes = [512, 1], strides = [1, 1]} : vector<512x16xi32> to vector<512x1xi32>
    %mul3A_23 = arith.constant 128 : i32
    %mul3A_24 = vector.broadcast %mul3A_23 : i32 to vector<512x1xi32>
    %mul3A_25 = arith.muli %slice3A_22, %mul3A_24 : vector<512x1xi32>
    %add3A_26 = vector.broadcast %mul3A_25 : vector<512x1xi32> to vector<512x128xi32>
    %add3A_27 = arith.addi %add3A_26, %iota3A : vector<512x128xi32>
    %convert_element_type3A_28 = arith.sitofp %add3A_27 : vector<512x128xi32> to vector<512x128xf32>
    %slice3A_29 = vector.extract_strided_slice %get3A_4 {offsets = [0, 4], sizes = [512, 1], strides = [1, 1]} : vector<512x16xi32> to vector<512x1xi32>
    %mul3A_30 = arith.constant 128 : i32
    %mul3A_31 = vector.broadcast %mul3A_30 : i32 to vector<512x1xi32>
    %mul3A_32 = arith.muli %slice3A_29, %mul3A_31 : vector<512x1xi32>
    %add3A_33 = vector.broadcast %mul3A_32 : vector<512x1xi32> to vector<512x128xi32>
    %add3A_34 = arith.addi %add3A_33, %iota3A : vector<512x128xi32>
    %convert_element_type3A_35 = arith.sitofp %add3A_34 : vector<512x128xi32> to vector<512x128xf32>
    %slice3A_36 = vector.extract_strided_slice %get3A_4 {offsets = [0, 5], sizes = [512, 1], strides = [1, 1]} : vector<512x16xi32> to vector<512x1xi32>
    %mul3A_37 = arith.constant 128 : i32
    %mul3A_38 = vector.broadcast %mul3A_37 : i32 to vector<512x1xi32>
    %mul3A_39 = arith.muli %slice3A_36, %mul3A_38 : vector<512x1xi32>
    %add3A_40 = vector.broadcast %mul3A_39 : vector<512x1xi32> to vector<512x128xi32>
    %add3A_41 = arith.addi %add3A_40, %iota3A : vector<512x128xi32>
    %convert_element_type3A_42 = arith.sitofp %add3A_41 : vector<512x128xi32> to vector<512x128xf32>
    %slice3A_43 = vector.extract_strided_slice %get3A_4 {offsets = [0, 6], sizes = [512, 1], strides = [1, 1]} : vector<512x16xi32> to vector<512x1xi32>
    %mul3A_44 = arith.constant 128 : i32
    %mul3A_45 = vector.broadcast %mul3A_44 : i32 to vector<512x1xi32>
    %mul3A_46 = arith.muli %slice3A_43, %mul3A_45 : vector<512x1xi32>
    %add3A_47 = vector.broadcast %mul3A_46 : vector<512x1xi32> to vector<512x128xi32>
    %add3A_48 = arith.addi %add3A_47, %iota3A : vector<512x128xi32>
    %convert_element_type3A_49 = arith.sitofp %add3A_48 : vector<512x128xi32> to vector<512x128xf32>
    %slice3A_50 = vector.extract_strided_slice %get3A_4 {offsets = [0, 7], sizes = [512, 1], strides = [1, 1]} : vector<512x16xi32> to vector<512x1xi32>
    %mul3A_51 = arith.constant 128 : i32
    %mul3A_52 = vector.broadcast %mul3A_51 : i32 to vector<512x1xi32>
    %mul3A_53 = arith.muli %slice3A_50, %mul3A_52 : vector<512x1xi32>
    %add3A_54 = vector.broadcast %mul3A_53 : vector<512x1xi32> to vector<512x128xi32>
    %add3A_55 = arith.addi %add3A_54, %iota3A : vector<512x128xi32>
    %convert_element_type3A_56 = arith.sitofp %add3A_55 : vector<512x128xi32> to vector<512x128xf32>
    %slice3A_57 = vector.extract_strided_slice %get3A_4 {offsets = [0, 8], sizes = [512, 1], strides = [1, 1]} : vector<512x16xi32> to vector<512x1xi32>
    %mul3A_58 = arith.constant 128 : i32
    %mul3A_59 = vector.broadcast %mul3A_58 : i32 to vector<512x1xi32>
    %mul3A_60 = arith.muli %slice3A_57, %mul3A_59 : vector<512x1xi32>
    %add3A_61 = vector.broadcast %mul3A_60 : vector<512x1xi32> to vector<512x128xi32>
    %add3A_62 = arith.addi %add3A_61, %iota3A : vector<512x128xi32>
    %convert_element_type3A_63 = arith.sitofp %add3A_62 : vector<512x128xi32> to vector<512x128xf32>
    %slice3A_64 = vector.extract_strided_slice %get3A_4 {offsets = [0, 9], sizes = [512, 1], strides = [1, 1]} : vector<512x16xi32> to vector<512x1xi32>
    %mul3A_65 = arith.constant 128 : i32
    %mul3A_66 = vector.broadcast %mul3A_65 : i32 to vector<512x1xi32>
    %mul3A_67 = arith.muli %slice3A_64, %mul3A_66 : vector<512x1xi32>
    %add3A_68 = vector.broadcast %mul3A_67 : vector<512x1xi32> to vector<512x128xi32>
    %add3A_69 = arith.addi %add3A_68, %iota3A : vector<512x128xi32>
    %convert_element_type3A_70 = arith.sitofp %add3A_69 : vector<512x128xi32> to vector<512x128xf32>
    %slice3A_71 = vector.extract_strided_slice %get3A_4 {offsets = [0, 10], sizes = [512, 1], strides = [1, 1]} : vector<512x16xi32> to vector<512x1xi32>
    %mul3A_72 = arith.constant 128 : i32
    %mul3A_73 = vector.broadcast %mul3A_72 : i32 to vector<512x1xi32>
    %mul3A_74 = arith.muli %slice3A_71, %mul3A_73 : vector<512x1xi32>
    %add3A_75 = vector.broadcast %mul3A_74 : vector<512x1xi32> to vector<512x128xi32>
    %add3A_76 = arith.addi %add3A_75, %iota3A : vector<512x128xi32>
    %convert_element_type3A_77 = arith.sitofp %add3A_76 : vector<512x128xi32> to vector<512x128xf32>
    %slice3A_78 = vector.extract_strided_slice %get3A_4 {offsets = [0, 11], sizes = [512, 1], strides = [1, 1]} : vector<512x16xi32> to vector<512x1xi32>
    %mul3A_79 = arith.constant 128 : i32
    %mul3A_80 = vector.broadcast %mul3A_79 : i32 to vector<512x1xi32>
    %mul3A_81 = arith.muli %slice3A_78, %mul3A_80 : vector<512x1xi32>
    %add3A_82 = vector.broadcast %mul3A_81 : vector<512x1xi32> to vector<512x128xi32>
    %add3A_83 = arith.addi %add3A_82, %iota3A : vector<512x128xi32>
    %convert_element_type3A_84 = arith.sitofp %add3A_83 : vector<512x128xi32> to vector<512x128xf32>
    %slice3A_85 = vector.extract_strided_slice %get3A_4 {offsets = [0, 12], sizes = [512, 1], strides = [1, 1]} : vector<512x16xi32> to vector<512x1xi32>
    %mul3A_86 = arith.constant 128 : i32
    %mul3A_87 = vector.broadcast %mul3A_86 : i32 to vector<512x1xi32>
    %mul3A_88 = arith.muli %slice3A_85, %mul3A_87 : vector<512x1xi32>
    %add3A_89 = vector.broadcast %mul3A_88 : vector<512x1xi32> to vector<512x128xi32>
    %add3A_90 = arith.addi %add3A_89, %iota3A : vector<512x128xi32>
    %convert_element_type3A_91 = arith.sitofp %add3A_90 : vector<512x128xi32> to vector<512x128xf32>
    %slice3A_92 = vector.extract_strided_slice %get3A_4 {offsets = [0, 13], sizes = [512, 1], strides = [1, 1]} : vector<512x16xi32> to vector<512x1xi32>
    %mul3A_93 = arith.constant 128 : i32
    %mul3A_94 = vector.broadcast %mul3A_93 : i32 to vector<512x1xi32>
    %mul3A_95 = arith.muli %slice3A_92, %mul3A_94 : vector<512x1xi32>
    %add3A_96 = vector.broadcast %mul3A_95 : vector<512x1xi32> to vector<512x128xi32>
    %add3A_97 = arith.addi %add3A_96, %iota3A : vector<512x128xi32>
    %convert_element_type3A_98 = arith.sitofp %add3A_97 : vector<512x128xi32> to vector<512x128xf32>
    %slice3A_99 = vector.extract_strided_slice %get3A_4 {offsets = [0, 14], sizes = [512, 1], strides = [1, 1]} : vector<512x16xi32> to vector<512x1xi32>
    %mul3A_100 = arith.constant 128 : i32
    %mul3A_101 = vector.broadcast %mul3A_100 : i32 to vector<512x1xi32>
    %mul3A_102 = arith.muli %slice3A_99, %mul3A_101 : vector<512x1xi32>
    %add3A_103 = vector.broadcast %mul3A_102 : vector<512x1xi32> to vector<512x128xi32>
    %add3A_104 = arith.addi %add3A_103, %iota3A : vector<512x128xi32>
    %convert_element_type3A_105 = arith.sitofp %add3A_104 : vector<512x128xi32> to vector<512x128xf32>
    %slice3A_106 = vector.extract_strided_slice %get3A_4 {offsets = [0, 15], sizes = [512, 1], strides = [1, 1]} : vector<512x16xi32> to vector<512x1xi32>
    %mul3A_107 = arith.constant 128 : i32
    %mul3A_108 = vector.broadcast %mul3A_107 : i32 to vector<512x1xi32>
    %mul3A_109 = arith.muli %slice3A_106, %mul3A_108 : vector<512x1xi32>
    %add3A_110 = vector.broadcast %mul3A_109 : vector<512x1xi32> to vector<512x128xi32>
    %add3A_111 = arith.addi %add3A_110, %iota3A : vector<512x128xi32>
    %convert_element_type3A_112 = arith.sitofp %add3A_111 : vector<512x128xi32> to vector<512x128xf32>
    %concatenate3A = tpu.concatenate %convert_element_type3A, %convert_element_type3A_14, %convert_element_type3A_21, %convert_element_type3A_28, %convert_element_type3A_35, %convert_element_type3A_42, %convert_element_type3A_49, %convert_element_type3A_56, %convert_element_type3A_63, %convert_element_type3A_70, %convert_element_type3A_77, %convert_element_type3A_84, %convert_element_type3A_91, %convert_element_type3A_98, %convert_element_type3A_105, %convert_element_type3A_112 in 1 : vector<512x128xf32>, vector<512x128xf32>, vector<512x128xf32>, vector<512x128xf32>, vector<512x128xf32>, vector<512x128xf32>, vector<512x128xf32>, vector<512x128xf32>, vector<512x128xf32>, vector<512x128xf32>, vector<512x128xf32>, vector<512x128xf32>, vector<512x128xf32>, vector<512x128xf32>, vector<512x128xf32>, vector<512x128xf32> -> vector<512x2048xf32>
    %reduce_min3A = arith.constant dense<0x7F800000> : vector<512xf32>
    %reduce_min3A_113 = vector.multi_reduction <minimumf>, %get3A_1, %reduce_min3A [1] : vector<512x2048xf32> to vector<512xf32>
    %broadcast_in_dim3A = vector.shape_cast %reduce_min3A_113 : vector<512xf32> to vector<512x1xf32>
    %le3A = vector.broadcast %broadcast_in_dim3A : vector<512x1xf32> to vector<512x2048xf32>
    %le3A_114 = arith.cmpf ole, %get3A_1, %le3A : vector<512x2048xf32>
    %jit3A = arith.constant 1.000000e+09 : f32
    %broadcast_in_dim3A_115 = vector.broadcast %jit3A : f32 to vector<512x2048xf32>
    %select_n3A = arith.select %le3A_114, %concatenate3A, %broadcast_in_dim3A_115 : vector<512x2048xi1>, vector<512x2048xf32>
    %reduce_min3A_116 = arith.constant dense<0x7F800000> : vector<512xf32>
    %reduce_min3A_117 = vector.multi_reduction <minimumf>, %select_n3A, %reduce_min3A_116 [1] : vector<512x2048xf32> to vector<512xf32>
    %broadcast_in_dim3A_118 = vector.shape_cast %reduce_min3A_117 : vector<512xf32> to vector<512x1xf32>
    %eq3A = vector.broadcast %broadcast_in_dim3A_118 : vector<512x1xf32> to vector<512x2048xf32>
    %eq3A_119 = arith.cmpf oeq, %concatenate3A, %eq3A : vector<512x2048xf32>
    %jit3A_120 = arith.constant 2.000000e+30 : f32
    %broadcast_in_dim3A_121 = vector.broadcast %jit3A_120 : f32 to vector<512x2048xf32>
    %select_n3A_122 = arith.select %eq3A_119, %broadcast_in_dim3A_121, %get3A_1 : vector<512x2048xi1>, vector<512x2048xf32>
    %reduce_min3A_123 = arith.constant dense<0x7F800000> : vector<512xf32>
    %reduce_min3A_124 = vector.multi_reduction <minimumf>, %select_n3A_122, %reduce_min3A_123 [1] : vector<512x2048xf32> to vector<512xf32>
    %broadcast_in_dim3A_125 = vector.shape_cast %reduce_min3A_124 : vector<512xf32> to vector<512x1xf32>
    %le3A_126 = vector.broadcast %broadcast_in_dim3A_125 : vector<512x1xf32> to vector<512x2048xf32>
    %le3A_127 = arith.cmpf ole, %select_n3A_122, %le3A_126 : vector<512x2048xf32>
    %jit3A_128 = arith.constant 1.000000e+09 : f32
    %broadcast_in_dim3A_129 = vector.broadcast %jit3A_128 : f32 to vector<512x2048xf32>
    %select_n3A_130 = arith.select %le3A_127, %concatenate3A, %broadcast_in_dim3A_129 : vector<512x2048xi1>, vector<512x2048xf32>
    %reduce_min3A_131 = arith.constant dense<0x7F800000> : vector<512xf32>
    %reduce_min3A_132 = vector.multi_reduction <minimumf>, %select_n3A_130, %reduce_min3A_131 [1] : vector<512x2048xf32> to vector<512xf32>
    %broadcast_in_dim3A_133 = vector.shape_cast %reduce_min3A_132 : vector<512xf32> to vector<512x1xf32>
    %eq3A_134 = vector.broadcast %broadcast_in_dim3A_133 : vector<512x1xf32> to vector<512x2048xf32>
    %eq3A_135 = arith.cmpf oeq, %concatenate3A, %eq3A_134 : vector<512x2048xf32>
    %jit3A_136 = arith.constant 2.000000e+30 : f32
    %broadcast_in_dim3A_137 = vector.broadcast %jit3A_136 : f32 to vector<512x2048xf32>
    %select_n3A_138 = arith.select %eq3A_135, %broadcast_in_dim3A_137, %select_n3A_122 : vector<512x2048xi1>, vector<512x2048xf32>
    %reduce_min3A_139 = arith.constant dense<0x7F800000> : vector<512xf32>
    %reduce_min3A_140 = vector.multi_reduction <minimumf>, %select_n3A_138, %reduce_min3A_139 [1] : vector<512x2048xf32> to vector<512xf32>
    %broadcast_in_dim3A_141 = vector.shape_cast %reduce_min3A_140 : vector<512xf32> to vector<512x1xf32>
    %le3A_142 = vector.broadcast %broadcast_in_dim3A_141 : vector<512x1xf32> to vector<512x2048xf32>
    %le3A_143 = arith.cmpf ole, %select_n3A_138, %le3A_142 : vector<512x2048xf32>
    %jit3A_144 = arith.constant 1.000000e+09 : f32
    %broadcast_in_dim3A_145 = vector.broadcast %jit3A_144 : f32 to vector<512x2048xf32>
    %select_n3A_146 = arith.select %le3A_143, %concatenate3A, %broadcast_in_dim3A_145 : vector<512x2048xi1>, vector<512x2048xf32>
    %reduce_min3A_147 = arith.constant dense<0x7F800000> : vector<512xf32>
    %reduce_min3A_148 = vector.multi_reduction <minimumf>, %select_n3A_146, %reduce_min3A_147 [1] : vector<512x2048xf32> to vector<512xf32>
    %broadcast_in_dim3A_149 = vector.shape_cast %reduce_min3A_148 : vector<512xf32> to vector<512x1xf32>
    %eq3A_150 = vector.broadcast %broadcast_in_dim3A_149 : vector<512x1xf32> to vector<512x2048xf32>
    %eq3A_151 = arith.cmpf oeq, %concatenate3A, %eq3A_150 : vector<512x2048xf32>
    %jit3A_152 = arith.constant 2.000000e+30 : f32
    %broadcast_in_dim3A_153 = vector.broadcast %jit3A_152 : f32 to vector<512x2048xf32>
    %select_n3A_154 = arith.select %eq3A_151, %broadcast_in_dim3A_153, %select_n3A_138 : vector<512x2048xi1>, vector<512x2048xf32>
    %reduce_min3A_155 = arith.constant dense<0x7F800000> : vector<512xf32>
    %reduce_min3A_156 = vector.multi_reduction <minimumf>, %select_n3A_154, %reduce_min3A_155 [1] : vector<512x2048xf32> to vector<512xf32>
    %broadcast_in_dim3A_157 = vector.shape_cast %reduce_min3A_156 : vector<512xf32> to vector<512x1xf32>
    %le3A_158 = vector.broadcast %broadcast_in_dim3A_157 : vector<512x1xf32> to vector<512x2048xf32>
    %le3A_159 = arith.cmpf ole, %select_n3A_154, %le3A_158 : vector<512x2048xf32>
    %jit3A_160 = arith.constant 1.000000e+09 : f32
    %broadcast_in_dim3A_161 = vector.broadcast %jit3A_160 : f32 to vector<512x2048xf32>
    %select_n3A_162 = arith.select %le3A_159, %concatenate3A, %broadcast_in_dim3A_161 : vector<512x2048xi1>, vector<512x2048xf32>
    %reduce_min3A_163 = arith.constant dense<0x7F800000> : vector<512xf32>
    %reduce_min3A_164 = vector.multi_reduction <minimumf>, %select_n3A_162, %reduce_min3A_163 [1] : vector<512x2048xf32> to vector<512xf32>
    %broadcast_in_dim3A_165 = vector.shape_cast %reduce_min3A_164 : vector<512xf32> to vector<512x1xf32>
    %eq3A_166 = vector.broadcast %broadcast_in_dim3A_165 : vector<512x1xf32> to vector<512x2048xf32>
    %eq3A_167 = arith.cmpf oeq, %concatenate3A, %eq3A_166 : vector<512x2048xf32>
    %jit3A_168 = arith.constant 2.000000e+30 : f32
    %broadcast_in_dim3A_169 = vector.broadcast %jit3A_168 : f32 to vector<512x2048xf32>
    %select_n3A_170 = arith.select %eq3A_167, %broadcast_in_dim3A_169, %select_n3A_154 : vector<512x2048xi1>, vector<512x2048xf32>
    %reduce_min3A_171 = arith.constant dense<0x7F800000> : vector<512xf32>
    %reduce_min3A_172 = vector.multi_reduction <minimumf>, %select_n3A_170, %reduce_min3A_171 [1] : vector<512x2048xf32> to vector<512xf32>
    %broadcast_in_dim3A_173 = vector.shape_cast %reduce_min3A_172 : vector<512xf32> to vector<512x1xf32>
    %le3A_174 = vector.broadcast %broadcast_in_dim3A_173 : vector<512x1xf32> to vector<512x2048xf32>
    %le3A_175 = arith.cmpf ole, %select_n3A_170, %le3A_174 : vector<512x2048xf32>
    %jit3A_176 = arith.constant 1.000000e+09 : f32
    %broadcast_in_dim3A_177 = vector.broadcast %jit3A_176 : f32 to vector<512x2048xf32>
    %select_n3A_178 = arith.select %le3A_175, %concatenate3A, %broadcast_in_dim3A_177 : vector<512x2048xi1>, vector<512x2048xf32>
    %reduce_min3A_179 = arith.constant dense<0x7F800000> : vector<512xf32>
    %reduce_min3A_180 = vector.multi_reduction <minimumf>, %select_n3A_178, %reduce_min3A_179 [1] : vector<512x2048xf32> to vector<512xf32>
    %broadcast_in_dim3A_181 = vector.shape_cast %reduce_min3A_180 : vector<512xf32> to vector<512x1xf32>
    %eq3A_182 = vector.broadcast %broadcast_in_dim3A_181 : vector<512x1xf32> to vector<512x2048xf32>
    %eq3A_183 = arith.cmpf oeq, %concatenate3A, %eq3A_182 : vector<512x2048xf32>
    %jit3A_184 = arith.constant 2.000000e+30 : f32
    %broadcast_in_dim3A_185 = vector.broadcast %jit3A_184 : f32 to vector<512x2048xf32>
    %select_n3A_186 = arith.select %eq3A_183, %broadcast_in_dim3A_185, %select_n3A_170 : vector<512x2048xi1>, vector<512x2048xf32>
    %reduce_min3A_187 = arith.constant dense<0x7F800000> : vector<512xf32>
    %reduce_min3A_188 = vector.multi_reduction <minimumf>, %select_n3A_186, %reduce_min3A_187 [1] : vector<512x2048xf32> to vector<512xf32>
    %broadcast_in_dim3A_189 = vector.shape_cast %reduce_min3A_188 : vector<512xf32> to vector<512x1xf32>
    %le3A_190 = vector.broadcast %broadcast_in_dim3A_189 : vector<512x1xf32> to vector<512x2048xf32>
    %le3A_191 = arith.cmpf ole, %select_n3A_186, %le3A_190 : vector<512x2048xf32>
    %jit3A_192 = arith.constant 1.000000e+09 : f32
    %broadcast_in_dim3A_193 = vector.broadcast %jit3A_192 : f32 to vector<512x2048xf32>
    %select_n3A_194 = arith.select %le3A_191, %concatenate3A, %broadcast_in_dim3A_193 : vector<512x2048xi1>, vector<512x2048xf32>
    %reduce_min3A_195 = arith.constant dense<0x7F800000> : vector<512xf32>
    %reduce_min3A_196 = vector.multi_reduction <minimumf>, %select_n3A_194, %reduce_min3A_195 [1] : vector<512x2048xf32> to vector<512xf32>
    %broadcast_in_dim3A_197 = vector.shape_cast %reduce_min3A_196 : vector<512xf32> to vector<512x1xf32>
    %eq3A_198 = vector.broadcast %broadcast_in_dim3A_197 : vector<512x1xf32> to vector<512x2048xf32>
    %eq3A_199 = arith.cmpf oeq, %concatenate3A, %eq3A_198 : vector<512x2048xf32>
    %jit3A_200 = arith.constant 2.000000e+30 : f32
    %broadcast_in_dim3A_201 = vector.broadcast %jit3A_200 : f32 to vector<512x2048xf32>
    %select_n3A_202 = arith.select %eq3A_199, %broadcast_in_dim3A_201, %select_n3A_186 : vector<512x2048xi1>, vector<512x2048xf32>
    %reduce_min3A_203 = arith.constant dense<0x7F800000> : vector<512xf32>
    %reduce_min3A_204 = vector.multi_reduction <minimumf>, %select_n3A_202, %reduce_min3A_203 [1] : vector<512x2048xf32> to vector<512xf32>
    %broadcast_in_dim3A_205 = vector.shape_cast %reduce_min3A_204 : vector<512xf32> to vector<512x1xf32>
    %le3A_206 = vector.broadcast %broadcast_in_dim3A_205 : vector<512x1xf32> to vector<512x2048xf32>
    %le3A_207 = arith.cmpf ole, %select_n3A_202, %le3A_206 : vector<512x2048xf32>
    %jit3A_208 = arith.constant 1.000000e+09 : f32
    %broadcast_in_dim3A_209 = vector.broadcast %jit3A_208 : f32 to vector<512x2048xf32>
    %select_n3A_210 = arith.select %le3A_207, %concatenate3A, %broadcast_in_dim3A_209 : vector<512x2048xi1>, vector<512x2048xf32>
    %reduce_min3A_211 = arith.constant dense<0x7F800000> : vector<512xf32>
    %reduce_min3A_212 = vector.multi_reduction <minimumf>, %select_n3A_210, %reduce_min3A_211 [1] : vector<512x2048xf32> to vector<512xf32>
    %broadcast_in_dim3A_213 = vector.shape_cast %reduce_min3A_212 : vector<512xf32> to vector<512x1xf32>
    %eq3A_214 = vector.broadcast %broadcast_in_dim3A_213 : vector<512x1xf32> to vector<512x2048xf32>
    %eq3A_215 = arith.cmpf oeq, %concatenate3A, %eq3A_214 : vector<512x2048xf32>
    %jit3A_216 = arith.constant 2.000000e+30 : f32
    %broadcast_in_dim3A_217 = vector.broadcast %jit3A_216 : f32 to vector<512x2048xf32>
    %select_n3A_218 = arith.select %eq3A_215, %broadcast_in_dim3A_217, %select_n3A_202 : vector<512x2048xi1>, vector<512x2048xf32>
    %reduce_min3A_219 = arith.constant dense<0x7F800000> : vector<512xf32>
    %reduce_min3A_220 = vector.multi_reduction <minimumf>, %select_n3A_218, %reduce_min3A_219 [1] : vector<512x2048xf32> to vector<512xf32>
    %broadcast_in_dim3A_221 = vector.shape_cast %reduce_min3A_220 : vector<512xf32> to vector<512x1xf32>
    %le3A_222 = vector.broadcast %broadcast_in_dim3A_221 : vector<512x1xf32> to vector<512x2048xf32>
    %le3A_223 = arith.cmpf ole, %select_n3A_218, %le3A_222 : vector<512x2048xf32>
    %jit3A_224 = arith.constant 1.000000e+09 : f32
    %broadcast_in_dim3A_225 = vector.broadcast %jit3A_224 : f32 to vector<512x2048xf32>
    %select_n3A_226 = arith.select %le3A_223, %concatenate3A, %broadcast_in_dim3A_225 : vector<512x2048xi1>, vector<512x2048xf32>
    %reduce_min3A_227 = arith.constant dense<0x7F800000> : vector<512xf32>
    %reduce_min3A_228 = vector.multi_reduction <minimumf>, %select_n3A_226, %reduce_min3A_227 [1] : vector<512x2048xf32> to vector<512xf32>
    %broadcast_in_dim3A_229 = vector.shape_cast %reduce_min3A_228 : vector<512xf32> to vector<512x1xf32>
    %eq3A_230 = vector.broadcast %broadcast_in_dim3A_229 : vector<512x1xf32> to vector<512x2048xf32>
    %eq3A_231 = arith.cmpf oeq, %concatenate3A, %eq3A_230 : vector<512x2048xf32>
    %jit3A_232 = arith.constant 2.000000e+30 : f32
    %broadcast_in_dim3A_233 = vector.broadcast %jit3A_232 : f32 to vector<512x2048xf32>
    %select_n3A_234 = arith.select %eq3A_231, %broadcast_in_dim3A_233, %select_n3A_218 : vector<512x2048xi1>, vector<512x2048xf32>
    %reduce_min3A_235 = arith.constant dense<0x7F800000> : vector<512xf32>
    %reduce_min3A_236 = vector.multi_reduction <minimumf>, %select_n3A_234, %reduce_min3A_235 [1] : vector<512x2048xf32> to vector<512xf32>
    %broadcast_in_dim3A_237 = vector.shape_cast %reduce_min3A_236 : vector<512xf32> to vector<512x1xf32>
    %le3A_238 = vector.broadcast %broadcast_in_dim3A_237 : vector<512x1xf32> to vector<512x2048xf32>
    %le3A_239 = arith.cmpf ole, %select_n3A_234, %le3A_238 : vector<512x2048xf32>
    %jit3A_240 = arith.constant 1.000000e+09 : f32
    %broadcast_in_dim3A_241 = vector.broadcast %jit3A_240 : f32 to vector<512x2048xf32>
    %select_n3A_242 = arith.select %le3A_239, %concatenate3A, %broadcast_in_dim3A_241 : vector<512x2048xi1>, vector<512x2048xf32>
    %reduce_min3A_243 = arith.constant dense<0x7F800000> : vector<512xf32>
    %reduce_min3A_244 = vector.multi_reduction <minimumf>, %select_n3A_242, %reduce_min3A_243 [1] : vector<512x2048xf32> to vector<512xf32>
    %broadcast_in_dim3A_245 = vector.shape_cast %reduce_min3A_244 : vector<512xf32> to vector<512x1xf32>
    %eq3A_246 = vector.broadcast %broadcast_in_dim3A_245 : vector<512x1xf32> to vector<512x2048xf32>
    %eq3A_247 = arith.cmpf oeq, %concatenate3A, %eq3A_246 : vector<512x2048xf32>
    %jit3A_248 = arith.constant 2.000000e+30 : f32
    %broadcast_in_dim3A_249 = vector.broadcast %jit3A_248 : f32 to vector<512x2048xf32>
    %select_n3A_250 = arith.select %eq3A_247, %broadcast_in_dim3A_249, %select_n3A_234 : vector<512x2048xi1>, vector<512x2048xf32>
    %reduce_min3A_251 = arith.constant dense<0x7F800000> : vector<512xf32>
    %reduce_min3A_252 = vector.multi_reduction <minimumf>, %select_n3A_250, %reduce_min3A_251 [1] : vector<512x2048xf32> to vector<512xf32>
    %broadcast_in_dim3A_253 = vector.shape_cast %reduce_min3A_252 : vector<512xf32> to vector<512x1xf32>
    %le3A_254 = vector.broadcast %broadcast_in_dim3A_253 : vector<512x1xf32> to vector<512x2048xf32>
    %le3A_255 = arith.cmpf ole, %select_n3A_250, %le3A_254 : vector<512x2048xf32>
    %jit3A_256 = arith.constant 1.000000e+09 : f32
    %broadcast_in_dim3A_257 = vector.broadcast %jit3A_256 : f32 to vector<512x2048xf32>
    %select_n3A_258 = arith.select %le3A_255, %concatenate3A, %broadcast_in_dim3A_257 : vector<512x2048xi1>, vector<512x2048xf32>
    %reduce_min3A_259 = arith.constant dense<0x7F800000> : vector<512xf32>
    %reduce_min3A_260 = vector.multi_reduction <minimumf>, %select_n3A_258, %reduce_min3A_259 [1] : vector<512x2048xf32> to vector<512xf32>
    %broadcast_in_dim3A_261 = vector.shape_cast %reduce_min3A_260 : vector<512xf32> to vector<512x1xf32>
    %eq3A_262 = vector.broadcast %broadcast_in_dim3A_261 : vector<512x1xf32> to vector<512x2048xf32>
    %eq3A_263 = arith.cmpf oeq, %concatenate3A, %eq3A_262 : vector<512x2048xf32>
    %jit3A_264 = arith.constant 2.000000e+30 : f32
    %broadcast_in_dim3A_265 = vector.broadcast %jit3A_264 : f32 to vector<512x2048xf32>
    %select_n3A_266 = arith.select %eq3A_263, %broadcast_in_dim3A_265, %select_n3A_250 : vector<512x2048xi1>, vector<512x2048xf32>
    %reduce_min3A_267 = arith.constant dense<0x7F800000> : vector<512xf32>
    %reduce_min3A_268 = vector.multi_reduction <minimumf>, %select_n3A_266, %reduce_min3A_267 [1] : vector<512x2048xf32> to vector<512xf32>
    %broadcast_in_dim3A_269 = vector.shape_cast %reduce_min3A_268 : vector<512xf32> to vector<512x1xf32>
    %le3A_270 = vector.broadcast %broadcast_in_dim3A_269 : vector<512x1xf32> to vector<512x2048xf32>
    %le3A_271 = arith.cmpf ole, %select_n3A_266, %le3A_270 : vector<512x2048xf32>
    %jit3A_272 = arith.constant 1.000000e+09 : f32
    %broadcast_in_dim3A_273 = vector.broadcast %jit3A_272 : f32 to vector<512x2048xf32>
    %select_n3A_274 = arith.select %le3A_271, %concatenate3A, %broadcast_in_dim3A_273 : vector<512x2048xi1>, vector<512x2048xf32>
    %reduce_min3A_275 = arith.constant dense<0x7F800000> : vector<512xf32>
    %reduce_min3A_276 = vector.multi_reduction <minimumf>, %select_n3A_274, %reduce_min3A_275 [1] : vector<512x2048xf32> to vector<512xf32>
    %broadcast_in_dim3A_277 = vector.shape_cast %reduce_min3A_276 : vector<512xf32> to vector<512x1xf32>
    %eq3A_278 = vector.broadcast %broadcast_in_dim3A_277 : vector<512x1xf32> to vector<512x2048xf32>
    %eq3A_279 = arith.cmpf oeq, %concatenate3A, %eq3A_278 : vector<512x2048xf32>
    %jit3A_280 = arith.constant 2.000000e+30 : f32
    %broadcast_in_dim3A_281 = vector.broadcast %jit3A_280 : f32 to vector<512x2048xf32>
    %select_n3A_282 = arith.select %eq3A_279, %broadcast_in_dim3A_281, %select_n3A_266 : vector<512x2048xi1>, vector<512x2048xf32>
    %reduce_min3A_283 = arith.constant dense<0x7F800000> : vector<512xf32>
    %reduce_min3A_284 = vector.multi_reduction <minimumf>, %select_n3A_282, %reduce_min3A_283 [1] : vector<512x2048xf32> to vector<512xf32>
    %broadcast_in_dim3A_285 = vector.shape_cast %reduce_min3A_284 : vector<512xf32> to vector<512x1xf32>
    %le3A_286 = vector.broadcast %broadcast_in_dim3A_285 : vector<512x1xf32> to vector<512x2048xf32>
    %le3A_287 = arith.cmpf ole, %select_n3A_282, %le3A_286 : vector<512x2048xf32>
    %jit3A_288 = arith.constant 1.000000e+09 : f32
    %broadcast_in_dim3A_289 = vector.broadcast %jit3A_288 : f32 to vector<512x2048xf32>
    %select_n3A_290 = arith.select %le3A_287, %concatenate3A, %broadcast_in_dim3A_289 : vector<512x2048xi1>, vector<512x2048xf32>
    %reduce_min3A_291 = arith.constant dense<0x7F800000> : vector<512xf32>
    %reduce_min3A_292 = vector.multi_reduction <minimumf>, %select_n3A_290, %reduce_min3A_291 [1] : vector<512x2048xf32> to vector<512xf32>
    %broadcast_in_dim3A_293 = vector.shape_cast %reduce_min3A_292 : vector<512xf32> to vector<512x1xf32>
    %eq3A_294 = vector.broadcast %broadcast_in_dim3A_293 : vector<512x1xf32> to vector<512x2048xf32>
    %eq3A_295 = arith.cmpf oeq, %concatenate3A, %eq3A_294 : vector<512x2048xf32>
    %jit3A_296 = arith.constant 2.000000e+30 : f32
    %broadcast_in_dim3A_297 = vector.broadcast %jit3A_296 : f32 to vector<512x2048xf32>
    %select_n3A_298 = arith.select %eq3A_295, %broadcast_in_dim3A_297, %select_n3A_282 : vector<512x2048xi1>, vector<512x2048xf32>
    %reduce_min3A_299 = arith.constant dense<0x7F800000> : vector<512xf32>
    %reduce_min3A_300 = vector.multi_reduction <minimumf>, %select_n3A_298, %reduce_min3A_299 [1] : vector<512x2048xf32> to vector<512xf32>
    %broadcast_in_dim3A_301 = vector.shape_cast %reduce_min3A_300 : vector<512xf32> to vector<512x1xf32>
    %le3A_302 = vector.broadcast %broadcast_in_dim3A_301 : vector<512x1xf32> to vector<512x2048xf32>
    %le3A_303 = arith.cmpf ole, %select_n3A_298, %le3A_302 : vector<512x2048xf32>
    %jit3A_304 = arith.constant 1.000000e+09 : f32
    %broadcast_in_dim3A_305 = vector.broadcast %jit3A_304 : f32 to vector<512x2048xf32>
    %select_n3A_306 = arith.select %le3A_303, %concatenate3A, %broadcast_in_dim3A_305 : vector<512x2048xi1>, vector<512x2048xf32>
    %reduce_min3A_307 = arith.constant dense<0x7F800000> : vector<512xf32>
    %reduce_min3A_308 = vector.multi_reduction <minimumf>, %select_n3A_306, %reduce_min3A_307 [1] : vector<512x2048xf32> to vector<512xf32>
    %broadcast_in_dim3A_309 = vector.shape_cast %reduce_min3A_308 : vector<512xf32> to vector<512x1xf32>
    %eq3A_310 = vector.broadcast %broadcast_in_dim3A_309 : vector<512x1xf32> to vector<512x2048xf32>
    %eq3A_311 = arith.cmpf oeq, %concatenate3A, %eq3A_310 : vector<512x2048xf32>
    %jit3A_312 = arith.constant 2.000000e+30 : f32
    %broadcast_in_dim3A_313 = vector.broadcast %jit3A_312 : f32 to vector<512x2048xf32>
    %select_n3A_314 = arith.select %eq3A_311, %broadcast_in_dim3A_313, %select_n3A_298 : vector<512x2048xi1>, vector<512x2048xf32>
    %reduce_min3A_315 = arith.constant dense<0x7F800000> : vector<512xf32>
    %reduce_min3A_316 = vector.multi_reduction <minimumf>, %select_n3A_314, %reduce_min3A_315 [1] : vector<512x2048xf32> to vector<512xf32>
    %broadcast_in_dim3A_317 = vector.shape_cast %reduce_min3A_316 : vector<512xf32> to vector<512x1xf32>
    %le3A_318 = vector.broadcast %broadcast_in_dim3A_317 : vector<512x1xf32> to vector<512x2048xf32>
    %le3A_319 = arith.cmpf ole, %select_n3A_314, %le3A_318 : vector<512x2048xf32>
    %jit3A_320 = arith.constant 1.000000e+09 : f32
    %broadcast_in_dim3A_321 = vector.broadcast %jit3A_320 : f32 to vector<512x2048xf32>
    %select_n3A_322 = arith.select %le3A_319, %concatenate3A, %broadcast_in_dim3A_321 : vector<512x2048xi1>, vector<512x2048xf32>
    %reduce_min3A_323 = arith.constant dense<0x7F800000> : vector<512xf32>
    %reduce_min3A_324 = vector.multi_reduction <minimumf>, %select_n3A_322, %reduce_min3A_323 [1] : vector<512x2048xf32> to vector<512xf32>
    %broadcast_in_dim3A_325 = vector.shape_cast %reduce_min3A_324 : vector<512xf32> to vector<512x1xf32>
    %eq3A_326 = vector.broadcast %broadcast_in_dim3A_325 : vector<512x1xf32> to vector<512x2048xf32>
    %eq3A_327 = arith.cmpf oeq, %concatenate3A, %eq3A_326 : vector<512x2048xf32>
    %jit3A_328 = arith.constant 2.000000e+30 : f32
    %broadcast_in_dim3A_329 = vector.broadcast %jit3A_328 : f32 to vector<512x2048xf32>
    %select_n3A_330 = arith.select %eq3A_327, %broadcast_in_dim3A_329, %select_n3A_314 : vector<512x2048xi1>, vector<512x2048xf32>
    %reduce_min3A_331 = arith.constant dense<0x7F800000> : vector<512xf32>
    %reduce_min3A_332 = vector.multi_reduction <minimumf>, %select_n3A_330, %reduce_min3A_331 [1] : vector<512x2048xf32> to vector<512xf32>
    %broadcast_in_dim3A_333 = vector.shape_cast %reduce_min3A_332 : vector<512xf32> to vector<512x1xf32>
    %le3A_334 = vector.broadcast %broadcast_in_dim3A_333 : vector<512x1xf32> to vector<512x2048xf32>
    %le3A_335 = arith.cmpf ole, %select_n3A_330, %le3A_334 : vector<512x2048xf32>
    %jit3A_336 = arith.constant 1.000000e+09 : f32
    %broadcast_in_dim3A_337 = vector.broadcast %jit3A_336 : f32 to vector<512x2048xf32>
    %select_n3A_338 = arith.select %le3A_335, %concatenate3A, %broadcast_in_dim3A_337 : vector<512x2048xi1>, vector<512x2048xf32>
    %reduce_min3A_339 = arith.constant dense<0x7F800000> : vector<512xf32>
    %reduce_min3A_340 = vector.multi_reduction <minimumf>, %select_n3A_338, %reduce_min3A_339 [1] : vector<512x2048xf32> to vector<512xf32>
    %broadcast_in_dim3A_341 = vector.shape_cast %reduce_min3A_340 : vector<512xf32> to vector<512x1xf32>
    %eq3A_342 = vector.broadcast %broadcast_in_dim3A_341 : vector<512x1xf32> to vector<512x2048xf32>
    %eq3A_343 = arith.cmpf oeq, %concatenate3A, %eq3A_342 : vector<512x2048xf32>
    %jit3A_344 = arith.constant 2.000000e+30 : f32
    %broadcast_in_dim3A_345 = vector.broadcast %jit3A_344 : f32 to vector<512x2048xf32>
    %select_n3A_346 = arith.select %eq3A_343, %broadcast_in_dim3A_345, %select_n3A_330 : vector<512x2048xi1>, vector<512x2048xf32>
    %reduce_min3A_347 = arith.constant dense<0x7F800000> : vector<512xf32>
    %reduce_min3A_348 = vector.multi_reduction <minimumf>, %select_n3A_346, %reduce_min3A_347 [1] : vector<512x2048xf32> to vector<512xf32>
    %broadcast_in_dim3A_349 = vector.shape_cast %reduce_min3A_348 : vector<512xf32> to vector<512x1xf32>
    %le3A_350 = vector.broadcast %broadcast_in_dim3A_349 : vector<512x1xf32> to vector<512x2048xf32>
    %le3A_351 = arith.cmpf ole, %select_n3A_346, %le3A_350 : vector<512x2048xf32>
    %jit3A_352 = arith.constant 1.000000e+09 : f32
    %broadcast_in_dim3A_353 = vector.broadcast %jit3A_352 : f32 to vector<512x2048xf32>
    %select_n3A_354 = arith.select %le3A_351, %concatenate3A, %broadcast_in_dim3A_353 : vector<512x2048xi1>, vector<512x2048xf32>
    %reduce_min3A_355 = arith.constant dense<0x7F800000> : vector<512xf32>
    %reduce_min3A_356 = vector.multi_reduction <minimumf>, %select_n3A_354, %reduce_min3A_355 [1] : vector<512x2048xf32> to vector<512xf32>
    %broadcast_in_dim3A_357 = vector.shape_cast %reduce_min3A_356 : vector<512xf32> to vector<512x1xf32>
    %concatenate3A_358 = tpu.concatenate %broadcast_in_dim3A, %broadcast_in_dim3A_125, %broadcast_in_dim3A_141, %broadcast_in_dim3A_157, %broadcast_in_dim3A_173, %broadcast_in_dim3A_189, %broadcast_in_dim3A_205, %broadcast_in_dim3A_221, %broadcast_in_dim3A_237, %broadcast_in_dim3A_253, %broadcast_in_dim3A_269, %broadcast_in_dim3A_285, %broadcast_in_dim3A_301, %broadcast_in_dim3A_317, %broadcast_in_dim3A_333, %broadcast_in_dim3A_349 in 1 : vector<512x1xf32>, vector<512x1xf32>, vector<512x1xf32>, vector<512x1xf32>, vector<512x1xf32>, vector<512x1xf32>, vector<512x1xf32>, vector<512x1xf32>, vector<512x1xf32>, vector<512x1xf32>, vector<512x1xf32>, vector<512x1xf32>, vector<512x1xf32>, vector<512x1xf32>, vector<512x1xf32>, vector<512x1xf32> -> vector<512x16xf32>
    %swap3A = arith.constant 0 : index
    %swap3A_359 = arith.constant 0 : index
    %swap3A_360 = vector.load %arg3[%swap3A, %swap3A_359] : memref<512x16xf32, #tpu.memory_space<vmem>>, vector<512x16xf32>
    tpu.vector_store %arg3[%swap3A, %swap3A_359], %concatenate3A_358 {strides = array<i32>} : memref<512x16xf32, #tpu.memory_space<vmem>>, vector<512x16xf32>,
    %concatenate3A_361 = tpu.concatenate %broadcast_in_dim3A_118, %broadcast_in_dim3A_133, %broadcast_in_dim3A_149, %broadcast_in_dim3A_165, %broadcast_in_dim3A_181, %broadcast_in_dim3A_197, %broadcast_in_dim3A_213, %broadcast_in_dim3A_229, %broadcast_in_dim3A_245, %broadcast_in_dim3A_261, %broadcast_in_dim3A_277, %broadcast_in_dim3A_293, %broadcast_in_dim3A_309, %broadcast_in_dim3A_325, %broadcast_in_dim3A_341, %broadcast_in_dim3A_357 in 1 : vector<512x1xf32>, vector<512x1xf32>, vector<512x1xf32>, vector<512x1xf32>, vector<512x1xf32>, vector<512x1xf32>, vector<512x1xf32>, vector<512x1xf32>, vector<512x1xf32>, vector<512x1xf32>, vector<512x1xf32>, vector<512x1xf32>, vector<512x1xf32>, vector<512x1xf32>, vector<512x1xf32>, vector<512x1xf32> -> vector<512x16xf32>
    %convert_element_type3A_362 = arith.fptosi %concatenate3A_361 : vector<512x16xf32> to vector<512x16xi32>
    %swap3A_363 = arith.constant 0 : index
    %swap3A_364 = arith.constant 0 : index
    %swap3A_365 = vector.load %arg4[%swap3A_363, %swap3A_364] : memref<512x16xi32, #tpu.memory_space<vmem>>, vector<512x16xi32>
    tpu.vector_store %arg4[%swap3A_363, %swap3A_364], %convert_element_type3A_362 {strides = array<i32>} : memref<512x16xi32, #tpu.memory_space<vmem>>, vector<512x16xi32>,
    return
  }
  func.func @transform_0(%arg0: i32) -> (i32, i32) {
    %c0_i32 = arith.constant 0 : i32
    %c0_i32_0 = arith.constant 0 : i32
    return %arg0, %c0_i32 : i32, i32
  }
  func.func @transform_1(%arg0: i32) -> (i32, i32) {
    %c0_i32 = arith.constant 0 : i32
    %c0_i32_0 = arith.constant 0 : i32
    return %arg0, %c0_i32 : i32, i32
  }
  func.func @transform_2(%arg0: i32) -> (i32, i32) {
    %c0_i32 = arith.constant 0 : i32
    %c0_i32_0 = arith.constant 0 : i32
    return %arg0, %c0_i32 : i32, i32
  }
  func.func @transform_3(%arg0: i32) -> (i32, i32) {
    %c0_i32 = arith.constant 0 : i32
    %c0_i32_0 = arith.constant 0 : i32
    return %arg0, %c0_i32 : i32, i32
  }
}

</mosaic_0001>

<sc_bundles>
// kernel: kernel.6.cloned.1.call-start
scs
__scs_entry_jumppad:
0x0: {  	(pc) =	sbr.rel $0x88, $3  }
0x1: {  	(tag) =	ssettag $0x0;
	lr =	simm.s32 $0x1  }
0x2: {  	[smem:$0x3F9F] =	sst lr;
	_ =	strace $0xD0000000  }
0x3: {  	_ = 	snop  }
0x4: {  	_ = 	snop  }
0x5: {  	_ = 	snop  }
0x6: {  	_ = 	snop  }
0x7: {  	_ = 	snop  }
__scs_overlays_trampoline_lowered:
0x8: {  	[smem:$0x3FAE] =	sst s0  }
0x9: {  	[smem:$0x3FAF] =	sst s1  }
0xa: {  	[smem:$0x3FB0] =	sst s2  }
0xb: {  	[smem:$0x3FB1] =	sst s3  }
0xc: {  	[smem:$0x3FB2] =	sst s4  }
0xd: {  	[smem:$0x3FB3] =	sst s5  }
0xe: {  	[smem:$0x3FB4] =	sst s6  }
0xf: {  	[smem:$0x3FB5] =	sst s7  }
0x10: {  	[smem:$0x3FB6] =	sst s8  }
0x11: {  	[smem:$0x3FB7] =	sst s9;
	s0 =	simm.s32 @!p0 $0x0  }
0x12: {  	s1 =	sld [smem:$0x3F9D];
	s0 =	simm.s32 @p0 $0x1  }
0x13: {  	[smem:$0x3FB8] =	sst s0;
	s0 =	simm.s32 @!p1 $0x0  }
0x14: {  	s2 =	sld [smem:$0x3F9C];
	s0 =	simm.s32 @p1 $0x1  }
0x15: {  	[smem:$0x3FB9] =	sst s0;
	s0 =	simm.s32 @!p2 $0x0  }
0x16: {  	s3 =	sld [smem:$0x3FDB];
	s0 =	simm.s32 @p2 $0x1  }
0x17: {  	s4 =	simm.s32 $0x1BF5;
	[smem:$0x3FBB] =	sst s0  }
0x18: {  	s0 =	sld [smem:$0x3F9E];
	_ =	swait.ge [sflag:s4], $0x0  }
0x19: {  	s7 =	sld [smem:$0x3F9F]  }
0x1a: {  	s8 =	sadd.s32 $0xFFFFE003, lr  }
0x1b: {  	s9 =	sadd.s32 $0xFFFFFEF7, lr;
	s5 =	simm.s32 $0xFFFFFFFF;
	p2 =	slt.u32 s8, $0xFFFFF086  }
0x1c: {  	p1 =	slt.u32 s9, $0xF7A;
	s5 =	simm.s32 @!p2 $0x0  }
0x1d: {  	s5 =	simm.s32 @p1 $0x1;
	p0 =	seq.s32 s7, s2  }
0x1e: {  	s7 =	smul.u32 @!p0 $0xF7A, s2;
	p2 =	seq.s32 @!p0 s5, $0x0  }
0x1f: {  	s9 =	smul.u32 $0xF7A, s1;
	s8 =	simm.s32 @!p0 $0x1BF5;
	p2 =	por !p2, p0  }
0x20: {  	[sflag:s8] =	ssyncset.s32 @!p0 $0xFFFFF086;
	s6 =	sadd.s32 @!p0 s3, s7;
	s7 =	simm.s32 @!p0 $0x108  }
0x21: {  	s3 =	sadd.s32 s3, s9;
	s6 =	sadd.s32 @!p0 $0x88, s6;
	s7 =	simm.s32 @p2 $0x1082  }
0x22: {  	[simem:s7], [sflag:s8] =	dma.local @!p0 [hbm:s6], $0xF7A  }
0x23: {  	s9 =	sor.u32 $0xD0000000, s2;
	s6 =	simm.s32 $0x108;
	_ =	swait.ge @!p0 [sflag:s8], $0x0  }
0x24: {  	s3 =	sadd.s32 $0x88, s3;
	s6 =	simm.s32 @!p1 $0x1082;
	[sflag:s4] =	ssyncset.s32 $0xFFFFF086  }
0x25: {  	[simem:s6], [sflag:s4] =	dma.local [hbm:s3], $0xF7A  }
0x26: {  	[smem:$0x3F9F] =	sst s1;
	(tag) =	ssettag s2;
	_ =	strace s9  }
0x27: {  	s1 =	sld [smem:$0x3FAF]  }
0x28: {  	s2 =	sld [smem:$0x3FB0]  }
0x29: {  	s4 =	sld [smem:$0x3FB2]  }
0x2a: {  	p0 =	seq.s32 s5, $0x0;
	s5 =	sld [smem:$0x3FB3]  }
0x2b: {  	s6 =	sld [smem:$0x3FB4]  }
0x2c: {  	s7 =	sld [smem:$0x3FB5]  }
0x2d: {  	s3 =	simm.s32 $0x108;
	s8 =	sld [smem:$0x3FB6]  }
0x2e: {  	s3 =	simm.s32 @!p0 $0x1082;
	s9 =	sld [smem:$0x3FB7]  }
0x2f: {  	lr =	sadd.s32 s0, s3;
	s0 =	sld [smem:$0x3FAE]  }
0x30: {  	s3 =	sld [smem:$0x3FB1]  }
0x31: {  	[smem:$0x3FBA] =	sst s10  }
0x32: {  	s10 =	sld [smem:$0x3FB8];
	_ =	sdelay $0x3  }
0x33: {  	p0 =	seq.s32 s10, $0x1;
	s10 =	sld [smem:$0x3FBA];
	_ =	sdelay $0x3  }
0x34: {  	[smem:$0x3FBA] =	sst s10  }
0x35: {  	s10 =	sld [smem:$0x3FB9];
	_ =	sdelay $0x3  }
0x36: {  	p1 =	seq.s32 s10, $0x1;
	s10 =	sld [smem:$0x3FBA];
	_ =	sdelay $0x3  }
0x37: {  	[smem:$0x3FBA] =	sst s10  }
0x38: {  	s10 =	sld [smem:$0x3FBB]  }
0x39: {  	_ = 	snop;
	(pc) =	sbr.ind lr, $3  }
0x3a: {  	_ = 	snop  }
0x3b: {  	_ = 	snop  }
0x3c: {  	p2 =	seq.s32 s10, $0x1;
	s10 =	sld [smem:$0x3FBA]  }
0x3d: {  	_ =	shalt  }
0x3e: {  	_ =	shalt  }
0x3f: {  	_ =	shalt  }
0x40: {  	_ =	shalt  }
0x41: {  	_ =	shalt  }
0x42: {  	_ =	shalt  }
0x43: {  	_ =	shalt  }
0x44: {  	_ =	shalt  }
0x45: {  	_ =	shalt  }
0x46: {  	_ =	shalt  }
0x47: {  	_ =	shalt  }
0x48: {  	_ =	shalt  }
0x49: {  	_ =	shalt  }
0x4a: {  	_ =	shalt  }
0x4b: {  	_ =	shalt  }
0x4c: {  	_ =	shalt  }
0x4d: {  	_ =	shalt  }
0x4e: {  	_ =	shalt  }
0x4f: {  	_ =	shalt  }
0x50: {  	_ =	shalt  }
0x51: {  	_ =	shalt  }
0x52: {  	_ =	shalt  }
0x53: {  	_ =	shalt  }
0x54: {  	_ =	shalt  }
0x55: {  	_ =	shalt  }
0x56: {  	_ =	shalt  }
0x57: {  	_ =	shalt  }
0x58: {  	_ =	shalt  }
0x59: {  	_ =	shalt  }
0x5a: {  	_ =	shalt  }
0x5b: {  	_ =	shalt  }
0x5c: {  	_ =	shalt  }
0x5d: {  	_ =	shalt  }
0x5e: {  	_ =	shalt  }
0x5f: {  	_ =	shalt  }
0x60: {  	_ =	shalt  }
0x61: {  	_ =	shalt  }
0x62: {  	_ =	shalt  }
0x63: {  	_ =	shalt  }
0x64: {  	_ =	shalt  }
0x65: {  	_ =	shalt  }
0x66: {  	_ =	shalt  }
0x67: {  	_ =	shalt  }
0x68: {  	_ =	shalt  }
0x69: {  	_ =	shalt  }
0x6a: {  	_ =	shalt  }
0x6b: {  	_ =	shalt  }
0x6c: {  	_ =	shalt  }
0x6d: {  	_ =	shalt  }
0x6e: {  	_ =	shalt  }
0x6f: {  	_ =	shalt  }
0x70: {  	_ =	shalt  }
0x71: {  	_ =	shalt  }
0x72: {  	_ =	shalt  }
0x73: {  	_ =	shalt  }
0x74: {  	_ =	shalt  }
0x75: {  	_ =	shalt  }
0x76: {  	_ =	shalt  }
0x77: {  	_ =	shalt  }
0x78: {  	_ =	shalt  }
0x79: {  	_ =	shalt  }
0x7a: {  	_ =	shalt  }
0x7b: {  	_ =	shalt  }
0x7c: {  	_ =	shalt  }
0x7d: {  	_ =	shalt  }
0x7e: {  	_ =	shalt  }
0x7f: {  	_ =	shalt  }
0x80: {  	_ =	shalt  }
0x81: {  	_ =	shalt  }
0x82: {  	_ =	shalt  }
0x83: {  	_ =	shalt  }
0x84: {  	_ =	shalt  }
0x85: {  	_ =	shalt  }
0x86: {  	_ =	shalt  }
0x87: {  	_ =	shalt  }
.Lfunc_end0:
.L_simem_size_0:
called_computation_lowered:
.L_overlay_start_0:
0x88: {  	s2 =	sld [smem:$0x3FD9]  }
0x89: {  	s3 =	sld [smem:$0x3FFE];
	_ =	sdelay $0x1  }
0x8a: {  	s1 =	srdreg.scid  }
0x8b: {  	s0 =	sand.u32 $0x1, s1  }
0x8c: {  	s14 =	sshll.u32 s0, $0xA;
	s2 =	sadd.s32 s3, s2  }
0x8d: {  	s2 =	sadd.s32 s2, s14  }
0x8e: {  	[smem:$0x3FC6] =	sst s2  }
0x8f: {  	_ = 	snop  }
0x90: {  	s2 =	sld [smem:$0x3FD0];
	_ =	sdelay $0x2  }
0x91: {  	s15 =	simm.s32 $0xA;
	s4 =	simm.s32 $0x10  }
0x92: {  	[smem:s4], [sflag:s15] =	dma.local [hbm:s2], $0x1  }
0x93: {  	_ =	swait.eq [sflag:s15], $0x1  }
0x94: {  	[sflag:s15] =	ssyncset.done $0x0  }
0x95: {  	[sflag:s15] =	ssyncadd.s32 $0xFFFFFFFF  }
0x96: {  	s16 =	sld [smem:$0x11];
	(tm) =	ssettm $0x1  }
0x97: {  	s17 =	sld [smem:$0x3FFB];
	_ =	sdelay $0x3  }
0x98: {  	_ =	strace s17  }
0x99: {  	s3 =	sld [smem:$0x3FFC];
	_ =	sdelay $0x3  }
0x9a: {  	_ =	strace s3  }
0x9b: {  	s3 =	sld [smem:$0x3FFD];
	_ =	sdelay $0x3  }
0x9c: {  	_ =	strace s3  }
0x9d: {  	_ =	strace $0x8FFFFFFF  }
0x9e: {  	s18 =	sld [smem:$0x3FDB];
	_ =	sdelay $0x1  }
0x9f: {  	s19 =	simm.s32 $_scs_section_size  }
0xa0: {  	s5 =	simm.s32 $_size__tile_overlayer_lowered;
	s6 =	simm.s32 $_tile_overlayer_lowered  }
0xa1: {  	s22 =	simm.s32 $0x1BFF;
	s21 =	sshll.u32 s6, $0x1;
	s3 =	sadd.s32 s19, s18  }
0xa2: {  	s7 =	simm.s32 $0x0;
	s20 =	sshll.u32 s5, $0x1;
	s5 =	sadd.s32 s21, s3  }
0xa3: {  	[timem:s7], [sflag:s22] =	dma.local [hbm:s5], s20  }
0xa4: {  	_ =	swait.ge [sflag:s22], s20  }
0xa5: {  	s4 =	ssub.s32 $0x0, s20;
	[sflag:s22] =	ssyncset.done $0x0  }
0xa6: {  	[sflag:s22] =	ssyncadd.s32 s4;
	_ =	sdelay $0x1  }
0xa7: {  	s23 =	simm.s32 $0x1B8B  }
0xa8: {  	_ =	swait.ge [sflag:s23], $0x1  }
0xa9: {  	[sflag:s23] =	ssyncset.done $0x0  }
0xaa: {  	s25 =	simm.s32 $0x1B8E;
	s24 =	sld [smem:$0x3FFE];
	[sflag:s23] =	ssyncadd.s32 $0xFFFFFFFF  }
0xab: {  	s26 =	simm.s32 $execute0_lowered;
	[smem:$0x3FD2] =	sst s25  }
0xac: {  	s5 =	sshll.u32 s26, $0x1;
	_ =	strace $0x80000046;
	[dreg:$0x1] =	wrdreg $0xFFFFFFFF  }
0xad: {  	s28 =	simm.s32 $_size_execute0_lowered;
	s3 =	sadd.s32 s3, s5;
	[dreg:$0x0] =	wrdreg $0x0  }
0xae: {  	s5 =	sshll.u32 s28, $0x1;
	[dreg:$0x2] =	wrdreg s3  }
0xaf: {  	[dreg:$0x3] =	wrdreg s5  }
0xb0: {  	[dreg:$0x4] =	wrdreg $0xC0  }
0xb1: {  	_ =	task [dreg:s7], $0x5FFFF  }
0xb2: {  	[dreg:$0x1] =	wrdreg $0xFFFFFFFF  }
0xb3: {  	[dreg:$0x0] =	wrdreg $0x60  }
0xb4: {  	[dreg:$0x2] =	wrdreg s24  }
0xb5: {  	[dreg:$0x3] =	wrdreg s16  }
0xb6: {  	[dreg:$0x4] =	wrdreg $0x9  }
0xb7: {  	_ =	task.clear_ibuf [dreg:s7], $0x5FFFF;
	_ =	strace $0x90000046  }
0xb8: {  	s29 =	simm.s32 $0x9;
	_ =	strace $0x80000048  }
0xb9: {  	_ =	swait.ge [sflag:s29], $0x1  }
0xba: {  	[sflag:s29] =	ssyncadd.s32 $0xFFFFFFFF  }
0xbb: {  	_ =	strace $0x90000048  }
0xbc: {  	_ =	sfence  }
0xbd: {  	s30 =	sld [smem:$0x0];
	_ =	sdelay $0x2  }
0xbe: {  	s31 =	sshll.u32 s1, $0xD;
	s1 =	sshrl.u32 s1, $0x2  }
0xbf: {  	s3 =	sand.u32 $0x4000, s31;
	s1 =	sadd.s32 s1, s30  }
0xc0: {  	s0 =	sor.u32 s3, s0;
	s1 =	sshll.u32 s1, $0x11  }
0xc1: {  	s0 =	sor.u32 s1, s0  }
0xc2: {  	s0 =	sadd.s32 $0x8F2B, s0  }
0xc3: {  	[sflag:s0] =	ssyncadd.remote.s32 $0x1  }
0xc4: {  	_ =	sfence.sel $0xFFFF  }
0xc5: {  	[dreg:$0x0] =	wrdreg $0xFFFFFFFF;
	(pc) =	sbr.abs _section_cstart, $3  }
0xc6: {  	[dreg:$0x1] =	wrdreg $0xFFFFFFFF  }
0xc7: {  	_ =	task.clear_ibuf [dreg:s7], $0x2FFFF;
	_ =	strace $0x9FFFFFFF  }
0xc8: {  	(tm) =	ssettm $0x7FFFFFFF  }
0xc9: {  	_ =	shalt  }
tec
execute0_lowered:
.L_overlay_start_1:
0x0: {  	(tag) =	ssettag $0x1  }
0x1: {  	s4 =	rddreg [dreg:$0x0]  }
0x2: {  	s6 =	rddreg [dreg:$0x1]  }
0x3: {  	s0 =	rddreg [dreg:$0x2];
	s2 =	simm.s32 $0x0;
	s1 =	stileid.u32  }
0x4: {  	s3 =	srdreg.scid;
	[smem:$0x7FF] =	sst s2  }
0x5: {  	s5 =	sshll.u32 s1, $0x10;
	s7 =	sand.u32 $0x1, s3;
	s3 =	sadd.s32 $0x499000, s4  }
0x6: {  	s9 =	sshll.u32 s1, $0xC;
	_ =	strace $0x80000047;
	s5 =	sadd.s32 s5, s4  }
0x7: {  	s29 =	ssub.s32 $0x2, s7;
	s10 =	sshll.u32 s7, $0xB;
	s7 =	sshll.u32 s7, $0xF  }
0x8: {  	s8 =	sshrl.u32 s29, $0x1;
	s30 =	sor.u32 s10, s9;
	s5 =	sadd.s32 s7, s5  }
0x9: {  	s7 =	simm.s32 $0x2;
	s9 =	simm.s32 $0x1;
	s10 =	simm.s32 $0x0  }
0xa: {  	s4 =	ssub.s32 s29, s8;
	s31 =	sshrl.u32 s30, $0x3;
	s5 =	sadd.s32 $0x11000, s5  }
0xb: {  	s8 =	simm.s32 $0x80;
	s4 =	smax.u32 s4, $0x1;
	s6 =	sadd.s32 s31, s6  }
.LBB2_1:
0xc: {  	s11 =	sadd.s32 $0x0, s6  }
0xd: {  	[tilespmem:s2], [sflag:$0x2] =	stream.linear.gather [hbm4b:s11+s2], $0x80, $0x38;
	[tilespmem:$0x4080] =	vst v63  }
0xe: {  	_ =	swait.ge [sflag:s7], $0x80  }
0xf: {  	[sflag:s7] =	ssyncset.done $0x0  }
0x10: {  	[sflag:s7] =	ssyncadd.s32 $0xFFFFFF80  }
0x11: {  	[tilespmem:s8], [sflag:$0x1] =	stream.indirect.gather [hbm4b:s3+s8], $0x80, s2, s8, $0xb8;
	[tilespmem:$0x4080] =	vst v63  }
0x12: {  	_ =	swait.ge [sflag:s9], $0x4000  }
0x13: {  	[sflag:s9] =	ssyncset.done $0x0  }
0x14: {  	[sflag:s9] =	ssyncadd.s32 $0xFFFFC000  }
0x15: {  	[hbm4b:s5+s2] =	stream.linear.scatter [tilespmem:s8], [sflag:$0x2], $0x4000, $0x38;
	[tilespmem:$0x4080] =	vst v63  }
0x16: {  	s12 =	simm.s32 $0x10;
	_ =	swait.ge [sflag:s7], $0x4000  }
0x17: {  	s13 =	simm.s32 $0x20;
	s11 =	sadd.s32 $0x800, s5;
	[sflag:s7] =	ssyncset.done $0x0  }
.LBB2_2:
0x18: {  	s14 =	sadd.s32 s12, s6  }
0x19: {  	[sflag:s7] =	ssyncadd.s32 $0xFFFFC000;
	s12 =	smov.u32 s13;
	s15 =	sadd.s32 $0x10, s13  }
0x1a: {  	[tilespmem:s2], [sflag:$0x2] =	stream.linear.gather [hbm4b:s14+s2], $0x80, $0x38;
	[tilespmem:$0x4080] =	vst v63  }
0x1b: {  	p0 =	sne.s32 s13, $0xF0;
	_ =	swait.ge [sflag:s7], $0x80  }
0x1c: {  	[sflag:s7] =	ssyncset.done $0x0  }
0x1d: {  	[sflag:s7] =	ssyncadd.s32 $0xFFFFFF80  }
0x1e: {  	[tilespmem:s8], [sflag:$0x1] =	stream.indirect.gather [hbm4b:s3+s8], $0x80, s2, s8, $0xb8;
	[tilespmem:$0x4080] =	vst v63  }
0x1f: {  	_ =	swait.ge [sflag:s9], $0x4000  }
.Ltmp0:
0x20: {  	[sflag:s9] =	ssyncset.done $0x0;
	(pc) =	sbr.rel @p0 .LBB2_2-.Ltmp0, $4  }
0x21: {  	[sflag:s9] =	ssyncadd.s32 $0xFFFFC000  }
0x22: {  	[hbm4b:s11+s2] =	stream.linear.scatter [tilespmem:s8], [sflag:$0x2], $0x4000, $0x38;
	[tilespmem:$0x4080] =	vst v63  }
0x23: {  	_ =	swait.ge [sflag:s7], $0x4000  }
0x24: {  	s13 =	smov.u32 s15;
	s11 =	sadd.s32 $0x800, s11;
	[sflag:s7] =	ssyncset.done $0x0  }
0x25: {  	s12 =	sadd.s32 s12, s6;
	[sflag:s7] =	ssyncadd.s32 $0xFFFFC000  }
0x26: {  	[tilespmem:s2], [sflag:$0x2] =	stream.linear.gather [hbm4b:s12+s2], $0x80, $0x38;
	[tilespmem:$0x4080] =	vst v63  }
0x27: {  	_ =	swait.ge [sflag:s7], $0x80  }
0x28: {  	[sflag:s7] =	ssyncset.done $0x0  }
0x29: {  	[sflag:s7] =	ssyncadd.s32 $0xFFFFFF80  }
0x2a: {  	[tilespmem:s8], [sflag:$0x1] =	stream.indirect.gather [hbm4b:s3+s8], $0x80, s2, s8, $0xb8;
	[tilespmem:$0x4080] =	vst v63  }
0x2b: {  	s10 =	sadd.s32 $0x1, s10;
	_ =	swait.ge [sflag:s9], $0x4000  }
0x2c: {  	p0 =	sne.s32 s10, s4;
	[sflag:s9] =	ssyncset.done $0x0  }
.Ltmp1:
0x2d: {  	[sflag:s9] =	ssyncadd.s32 $0xFFFFC000;
	(pc) =	sbr.rel @p0 .LBB2_1-.Ltmp1, $4  }
0x2e: {  	[hbm4b:s11+s2] =	stream.linear.scatter [tilespmem:s8], [sflag:$0x2], $0x4000, $0x38;
	[tilespmem:$0x4080] =	vst v63  }
0x2f: {  	_ =	swait.ge [sflag:s7], $0x4000  }
0x30: {  	[sflag:s7] =	ssyncset.done $0x0  }
0x31: {  	[sflag:s7] =	ssyncadd.s32 $0xFFFFC000  }
0x32: {  	_ =	sfence.sel $0x180000  }
0x33: {  	[bflag:$0x0] =	sbarrier.arrive $0xFFFF  }
0x34: {  	p0 =	sne.s32 s1, $0x0;
	_ =	strace $0x90000047  }
0x35: {  	s0 =	sadd.s32 @!p0 $0x100000, s0;
	[bflag:$0x2] =	sbarrier.arrive $0xFFFF  }
0x36: {  	[sflag:s0] =	ssyncadd.tile.s32 @!p0 $0x1;
	_ =	shalt  }
.Lfunc_end2:
_tile_overlayer_lowered:
.L_overlay_start_2:
0x37: {  	(tag) =	ssettag $0x2  }
0x38: {  	s0 =	rddreg [dreg:$0x0];
	s2 =	stileid.u32  }
0x39: {  	s1 =	rddreg [dreg:$0x1];
	p0 =	sne.s32 s2, $0x0  }
0x3a: {  	s3 =	rddreg [dreg:$0x2];
	[bflag:$0x3] =	sbarrier.arrive $0xFFFF;
	s2 =	simm.s32 @!p0 $0x1C02  }
0x3b: {  	[timem:s3], [sflag:s2] =	dma.local @!p0 [hbm:s0], s1  }
0x3c: {  	s0 =	simm.s32 @!p0 $0x2  }
0x3d: {  	_ =	swait.ge @!p0 [sflag:s0], s1  }
0x3e: {  	s1 =	ssub.s32 @!p0 $0x0, s1;
	[sflag:s0] =	ssyncset.done @!p0 $0x0  }
0x3f: {  	[sflag:s0] =	ssyncadd.s32 @!p0 s1  }
0x40: {  	[bflag:$0x3] =	sbarrier.arrive $0xFFFF  }
0x41: {  	_ =	shalt  }

</sc_bundles>
